<compile_context>
chip_gen: v7x
topology: tpu7x:2x2x1
jax: 0.10.2.dev20260603
libtpu: 0.0.44.dev20260713+nightly
codegen_flags: <defaults>
</compile_context>

<pallas_src>
import jax
import jax.numpy as jnp
from jax.experimental import pallas as pl
from jax.experimental.pallas import tpu as pltpu

_STD = (0.1, 0.1, 0.2, 0.2)
_PRE = 6000
_OUT = 2000
_THR = 0.7
_ROWS = 48
_LANES = 128
_PAD = _ROWS * _LANES


def _nms_body(y1a, x1a, y2a, x2a, d0, d1, d2, d3, out,
              by1, bx1, by2, bx2, area, sup):
    ha = y2a[...] - y1a[...]
    wa = x2a[...] - x1a[...]
    cy = y1a[...] + 0.5 * ha + (d0[...] * _STD[0]) * ha
    cx = x1a[...] + 0.5 * wa + (d1[...] * _STD[1]) * wa
    h = ha * jnp.exp(d2[...] * _STD[2])
    w = wa * jnp.exp(d3[...] * _STD[3])
    y1 = cy - 0.5 * h
    x1 = cx - 0.5 * w
    y2 = y1 + h
    x2 = x1 + w
    y1 = jnp.clip(y1, 0.0, 1.0)
    x1 = jnp.clip(x1, 0.0, 1.0)
    y2 = jnp.clip(y2, 0.0, 1.0)
    x2 = jnp.clip(x2, 0.0, 1.0)
    by1[...] = y1
    bx1[...] = x1
    by2[...] = y2
    bx2[...] = x2
    area[...] = (y2 - y1) * (x2 - x1)
    sup[...] = jnp.zeros((_ROWS, _LANES), jnp.float32)
    out[...] = jnp.zeros((_OUT, 4), jnp.float32)

    lane = jax.lax.broadcasted_iota(jnp.int32, (1, _LANES), 1)
    jg = (jax.lax.broadcasted_iota(jnp.int32, (_ROWS, _LANES), 0) * _LANES
          + jax.lax.broadcasted_iota(jnp.int32, (_ROWS, _LANES), 1))

    def extract(ref, r, onehot):
        row = ref[pl.ds(r, 1), :]
        return jnp.sum(jnp.where(onehot, row, 0.0))

    def body(carry):
        i, cnt = carry
        r = i // _LANES
        c = i % _LANES
        onehot = lane == c
        s_i = extract(sup, r, onehot)
        active = s_i < 0.5

        @pl.when(active)
        def _():
            y1s = extract(by1, r, onehot)
            x1s = extract(bx1, r, onehot)
            y2s = extract(by2, r, onehot)
            x2s = extract(bx2, r, onehot)
            a_s = (y2s - y1s) * (x2s - x1s)
            yy1 = jnp.maximum(y1s, by1[...])
            xx1 = jnp.maximum(x1s, bx1[...])
            yy2 = jnp.minimum(y2s, by2[...])
            xx2 = jnp.minimum(x2s, bx2[...])
            inter = jnp.maximum(yy2 - yy1, 0.0) * jnp.maximum(xx2 - xx1, 0.0)
            union = a_s + area[...] - inter
            hit = (inter > _THR * union) & (jg > i)
            sup[...] = jnp.maximum(sup[...], hit.astype(jnp.float32))
            out[pl.ds(cnt, 1), pl.ds(0, 1)] = y1s.reshape(1, 1)
            out[pl.ds(cnt, 1), pl.ds(1, 1)] = x1s.reshape(1, 1)
            out[pl.ds(cnt, 1), pl.ds(2, 1)] = y2s.reshape(1, 1)
            out[pl.ds(cnt, 1), pl.ds(3, 1)] = x2s.reshape(1, 1)

        return i + 1, cnt + active.astype(jnp.int32)

    def cond(carry):
        i, cnt = carry
        return (i < _PRE) & (cnt < _OUT)

    jax.lax.while_loop(cond, body, (jnp.int32(0), jnp.int32(0)))


def _proposals(planes):
    return pl.pallas_call(
        _nms_body,
        grid=(planes[0].shape[0],),
        in_specs=[pl.BlockSpec((None, _ROWS, _LANES), lambda b: (b, 0, 0))] * 8,
        out_specs=pl.BlockSpec((None, _OUT, 4), lambda b: (b, 0, 0)),
        scratch_shapes=[pltpu.VMEM((_ROWS, _LANES), jnp.float32)] * 6,
        out_shape=jax.ShapeDtypeStruct((planes[0].shape[0], _OUT, 4),
                                       jnp.float32),
        compiler_params=pltpu.CompilerParams(
            dimension_semantics=("arbitrary",)),
    )(*planes)


def kernel(rpn_probs, rpn_bbox, anchors):
    batch = rpn_probs.shape[0]
    scores = rpn_probs[:, :, 1]
    _, ix = jax.lax.top_k(scores, _PRE)
    deltas = jnp.take_along_axis(rpn_bbox, ix[:, :, None], axis=1)
    anc = jnp.take_along_axis(anchors, ix[:, :, None], axis=1)
    pad = ((0, 0), (0, _PAD - _PRE), (0, 0))
    anc = jnp.pad(anc, pad)
    deltas = jnp.pad(deltas, pad)
    planes = [anc[:, :, k].reshape(batch, _ROWS, _LANES) for k in range(4)]
    planes += [deltas[:, :, k].reshape(batch, _ROWS, _LANES) for k in range(4)]
    return _proposals(planes)

# --- scband reference (transcript-rebuilt; emitter-appended) ---
"""Pipeline reference for scband-proposal-layer-58823872086112 (READ-ONLY COPY).

The authoritative reference and input builder live on the scoring server;
editing this copy changes nothing except your own understanding.
"""

import jax, jax.numpy as jnp
import numpy as np

RPN_BBOX_STD_DEV = jnp.array([0.1, 0.1, 0.2, 0.2], dtype=jnp.float32)
PRE_NMS_LIMIT = 6000
PROPOSAL_COUNT = 2000
NMS_THRESHOLD = 0.7
BATCH = 2
NUM_ANCHORS = 261888


def apply_box_deltas(boxes, deltas):
    height = boxes[:, 2] - boxes[:, 0]
    width = boxes[:, 3] - boxes[:, 1]
    center_y = boxes[:, 0] + 0.5 * height
    center_x = boxes[:, 1] + 0.5 * width
    center_y = center_y + deltas[:, 0] * height
    center_x = center_x + deltas[:, 1] * width
    height = height * jnp.exp(deltas[:, 2])
    width = width * jnp.exp(deltas[:, 3])
    y1 = center_y - 0.5 * height
    x1 = center_x - 0.5 * width
    y2 = y1 + height
    x2 = x1 + width
    return jnp.stack([y1, x1, y2, x2], axis=1)


def clip_boxes(boxes, window):
    wy1, wx1, wy2, wx2 = window
    y1 = jnp.clip(boxes[:, 0], wy1, wy2)
    x1 = jnp.clip(boxes[:, 1], wx1, wx2)
    y2 = jnp.clip(boxes[:, 2], wy1, wy2)
    x2 = jnp.clip(boxes[:, 3], wx1, wx2)
    return jnp.stack([y1, x1, y2, x2], axis=1)


def _iou_one_vs_all(box, boxes, areas, area_box):
    y1 = jnp.maximum(box[0], boxes[:, 0])
    x1 = jnp.maximum(box[1], boxes[:, 1])
    y2 = jnp.minimum(box[2], boxes[:, 2])
    x2 = jnp.minimum(box[3], boxes[:, 3])
    inter = jnp.maximum(y2 - y1, 0.0) * jnp.maximum(x2 - x1, 0.0)
    union = area_box + areas - inter
    return inter / jnp.maximum(union, 1e-12)


def nms_keep(boxes, iou_threshold):
    # boxes are already sorted by descending score (top_k output)
    n = boxes.shape[0]
    areas = (boxes[:, 2] - boxes[:, 0]) * (boxes[:, 3] - boxes[:, 1])
    idxs = jnp.arange(n)

    def body(i, suppressed):
        iou = _iou_one_vs_all(boxes[i], boxes, areas, areas[i])
        active = jnp.logical_not(suppressed[i])
        new_sup = (iou > iou_threshold) & (idxs > i) & active
        return suppressed | new_sup

    suppressed = jax.lax.fori_loop(0, n, body, jnp.zeros((n,), dtype=bool))
    return jnp.logical_not(suppressed)


def _proposals_one(probs, bbox, anchors):
    scores = probs[:, 1]
    deltas = bbox * RPN_BBOX_STD_DEV.reshape(1, 4)
    _, ix = jax.lax.top_k(scores, PRE_NMS_LIMIT)
    deltas = jnp.take(deltas, ix, axis=0)
    pre_nms_anchors = jnp.take(anchors, ix, axis=0)
    boxes = apply_box_deltas(pre_nms_anchors, deltas)
    boxes = clip_boxes(boxes, (0.0, 0.0, 1.0, 1.0))
    keep = jax.lax.stop_gradient(nms_keep(jax.lax.stop_gradient(boxes), NMS_THRESHOLD))
    n = PRE_NMS_LIMIT
    # kept boxes come first in original (score-sorted) order; suppressed get sort-key n
    key_order = jnp.where(keep, jnp.arange(n), n)
    order = jnp.argsort(key_order)
    sel = order[:PROPOSAL_COUNT]
    valid = (key_order[sel] < n).astype(boxes.dtype)
    proposals = jnp.take(boxes, sel, axis=0) * valid[:, None]  # zero-padded like tf.pad
    return proposals


def setup_inputs(seed: int = 0) -> dict:
    key = jax.random.key(seed)
    k1, k2, k3, k4 = jax.random.split(key, 4)
    logits = jax.random.normal(k1, (BATCH, NUM_ANCHORS, 2), dtype=jnp.float32)
    rpn_probs = jax.nn.softmax(logits, axis=-1)
    rpn_bbox = jax.random.normal(k2, (BATCH, NUM_ANCHORS, 4), dtype=jnp.float32) * 0.5
    cyx = jax.random.uniform(k3, (BATCH, NUM_ANCHORS, 2), dtype=jnp.float32)
    hw = jax.random.uniform(k4, (BATCH, NUM_ANCHORS, 2), dtype=jnp.float32, minval=0.02, maxval=0.3)
    y1 = cyx[..., 0] - 0.5 * hw[..., 0]
    x1 = cyx[..., 1] - 0.5 * hw[..., 1]
    y2 = cyx[..., 0] + 0.5 * hw[..., 0]
    x2 = cyx[..., 1] + 0.5 * hw[..., 1]
    anchors = jnp.stack([y1, x1, y2, x2], axis=-1)
    return {"rpn_probs": rpn_probs, "rpn_bbox": rpn_bbox, "anchors": anchors}


def reference(rpn_probs, rpn_bbox, anchors):
    return jax.vmap(_proposals_one)(rpn_probs, rpn_bbox, anchors)

if __name__ == "__main__":
    import jax
    _d = setup_inputs()
    print(jax.jit(kernel)(*tuple(_d.values())))

</pallas_src>

<mosaic_0001>
module attributes {stable_mosaic.version = 14 : i64} {
  func.func @_nms_body(%arg0: i32, %arg1: memref<1x48x128xf32, #tpu.memory_space<vmem>>, %arg2: memref<1x48x128xf32, #tpu.memory_space<vmem>>, %arg3: memref<1x48x128xf32, #tpu.memory_space<vmem>>, %arg4: memref<1x48x128xf32, #tpu.memory_space<vmem>>, %arg5: memref<1x48x128xf32, #tpu.memory_space<vmem>>, %arg6: memref<1x48x128xf32, #tpu.memory_space<vmem>>, %arg7: memref<1x48x128xf32, #tpu.memory_space<vmem>>, %arg8: memref<1x48x128xf32, #tpu.memory_space<vmem>>, %arg9: memref<1x2000x4xf32, #tpu.memory_space<vmem>>, %arg10: memref<48x128xf32, #tpu.memory_space<vmem>>, %arg11: memref<48x128xf32, #tpu.memory_space<vmem>>, %arg12: memref<48x128xf32, #tpu.memory_space<vmem>>, %arg13: memref<48x128xf32, #tpu.memory_space<vmem>>, %arg14: memref<48x128xf32, #tpu.memory_space<vmem>>, %arg15: memref<48x128xf32, #tpu.memory_space<vmem>>) attributes {dimension_semantics = [#tpu.dimension_semantics<arbitrary>], iteration_bounds = array<i64: 2>, scalar_prefetch = 0 : i64, scratch_operands = 6 : i64, tpu.core_type = #tpu.core_type<tc>, window_params = [{transform_indices = @transform_0, window_bounds = array<i64: 1, 48, 128>}, {transform_indices = @transform_1, window_bounds = array<i64: 1, 48, 128>}, {transform_indices = @transform_2, window_bounds = array<i64: 1, 48, 128>}, {transform_indices = @transform_3, window_bounds = array<i64: 1, 48, 128>}, {transform_indices = @transform_4, window_bounds = array<i64: 1, 48, 128>}, {transform_indices = @transform_5, window_bounds = array<i64: 1, 48, 128>}, {transform_indices = @transform_6, window_bounds = array<i64: 1, 48, 128>}, {transform_indices = @transform_7, window_bounds = array<i64: 1, 48, 128>}, {transform_indices = @transform_8, window_bounds = array<i64: 1, 2000, 4>}]} {
    %get3A = arith.constant 0 : index
    %get3A_0 = arith.constant 0 : index
    %get3A_1 = arith.constant 0 : index
    %get3A_2 = vector.load %arg3[%get3A, %get3A_0, %get3A_1] : memref<1x48x128xf32, #tpu.memory_space<vmem>>, vector<1x48x128xf32>
    %get3A_3 = vector.shape_cast %get3A_2 : vector<1x48x128xf32> to vector<48x128xf32>
    %get3A_4 = arith.constant 0 : index
    %get3A_5 = arith.constant 0 : index
    %get3A_6 = arith.constant 0 : index
    %get3A_7 = vector.load %arg1[%get3A_4, %get3A_5, %get3A_6] : memref<1x48x128xf32, #tpu.memory_space<vmem>>, vector<1x48x128xf32>
    %get3A_8 = vector.shape_cast %get3A_7 : vector<1x48x128xf32> to vector<48x128xf32>
    %sub3A = arith.subf %get3A_3, %get3A_8 : vector<48x128xf32>
    %get3A_9 = arith.constant 0 : index
    %get3A_10 = arith.constant 0 : index
    %get3A_11 = arith.constant 0 : index
    %get3A_12 = vector.load %arg4[%get3A_9, %get3A_10, %get3A_11] : memref<1x48x128xf32, #tpu.memory_space<vmem>>, vector<1x48x128xf32>
    %get3A_13 = vector.shape_cast %get3A_12 : vector<1x48x128xf32> to vector<48x128xf32>
    %get3A_14 = arith.constant 0 : index
    %get3A_15 = arith.constant 0 : index
    %get3A_16 = arith.constant 0 : index
    %get3A_17 = vector.load %arg2[%get3A_14, %get3A_15, %get3A_16] : memref<1x48x128xf32, #tpu.memory_space<vmem>>, vector<1x48x128xf32>
    %get3A_18 = vector.shape_cast %get3A_17 : vector<1x48x128xf32> to vector<48x128xf32>
    %sub3A_19 = arith.subf %get3A_13, %get3A_18 : vector<48x128xf32>
    %get3A_20 = arith.constant 0 : index
    %get3A_21 = arith.constant 0 : index
    %get3A_22 = arith.constant 0 : index
    %get3A_23 = vector.load %arg1[%get3A_20, %get3A_21, %get3A_22] : memref<1x48x128xf32, #tpu.memory_space<vmem>>, vector<1x48x128xf32>
    %get3A_24 = vector.shape_cast %get3A_23 : vector<1x48x128xf32> to vector<48x128xf32>
    %mul3A = arith.constant 5.000000e-01 : f32
    %mul3A_25 = vector.broadcast %mul3A : f32 to vector<48x128xf32>
    %mul3A_26 = arith.mulf %mul3A_25, %sub3A : vector<48x128xf32>
    %add3A = arith.addf %get3A_24, %mul3A_26 : vector<48x128xf32>
    %get3A_27 = arith.constant 0 : index
    %get3A_28 = arith.constant 0 : index
    %get3A_29 = arith.constant 0 : index
    %get3A_30 = vector.load %arg5[%get3A_27, %get3A_28, %get3A_29] : memref<1x48x128xf32, #tpu.memory_space<vmem>>, vector<1x48x128xf32>
    %get3A_31 = vector.shape_cast %get3A_30 : vector<1x48x128xf32> to vector<48x128xf32>
    %mul3A_32 = arith.constant 1.000000e-01 : f32
    %mul3A_33 = vector.broadcast %mul3A_32 : f32 to vector<48x128xf32>
    %mul3A_34 = arith.mulf %get3A_31, %mul3A_33 : vector<48x128xf32>
    %mul3A_35 = arith.mulf %mul3A_34, %sub3A : vector<48x128xf32>
    %add3A_36 = arith.addf %add3A, %mul3A_35 : vector<48x128xf32>
    %get3A_37 = arith.constant 0 : index
    %get3A_38 = arith.constant 0 : index
    %get3A_39 = arith.constant 0 : index
    %get3A_40 = vector.load %arg2[%get3A_37, %get3A_38, %get3A_39] : memref<1x48x128xf32, #tpu.memory_space<vmem>>, vector<1x48x128xf32>
    %get3A_41 = vector.shape_cast %get3A_40 : vector<1x48x128xf32> to vector<48x128xf32>
    %mul3A_42 = arith.constant 5.000000e-01 : f32
    %mul3A_43 = vector.broadcast %mul3A_42 : f32 to vector<48x128xf32>
    %mul3A_44 = arith.mulf %mul3A_43, %sub3A_19 : vector<48x128xf32>
    %add3A_45 = arith.addf %get3A_41, %mul3A_44 : vector<48x128xf32>
    %get3A_46 = arith.constant 0 : index
    %get3A_47 = arith.constant 0 : index
    %get3A_48 = arith.constant 0 : index
    %get3A_49 = vector.load %arg6[%get3A_46, %get3A_47, %get3A_48] : memref<1x48x128xf32, #tpu.memory_space<vmem>>, vector<1x48x128xf32>
    %get3A_50 = vector.shape_cast %get3A_49 : vector<1x48x128xf32> to vector<48x128xf32>
    %mul3A_51 = arith.constant 1.000000e-01 : f32
    %mul3A_52 = vector.broadcast %mul3A_51 : f32 to vector<48x128xf32>
    %mul3A_53 = arith.mulf %get3A_50, %mul3A_52 : vector<48x128xf32>
    %mul3A_54 = arith.mulf %mul3A_53, %sub3A_19 : vector<48x128xf32>
    %add3A_55 = arith.addf %add3A_45, %mul3A_54 : vector<48x128xf32>
    %get3A_56 = arith.constant 0 : index
    %get3A_57 = arith.constant 0 : index
    %get3A_58 = arith.constant 0 : index
    %get3A_59 = vector.load %arg7[%get3A_56, %get3A_57, %get3A_58] : memref<1x48x128xf32, #tpu.memory_space<vmem>>, vector<1x48x128xf32>
    %get3A_60 = vector.shape_cast %get3A_59 : vector<1x48x128xf32> to vector<48x128xf32>
    %mul3A_61 = arith.constant 2.000000e-01 : f32
    %mul3A_62 = vector.broadcast %mul3A_61 : f32 to vector<48x128xf32>
    %mul3A_63 = arith.mulf %get3A_60, %mul3A_62 : vector<48x128xf32>
    %exp3A = math.exp %mul3A_63 : vector<48x128xf32>
    %mul3A_64 = arith.mulf %sub3A, %exp3A : vector<48x128xf32>
    %get3A_65 = arith.constant 0 : index
    %get3A_66 = arith.constant 0 : index
    %get3A_67 = arith.constant 0 : index
    %get3A_68 = vector.load %arg8[%get3A_65, %get3A_66, %get3A_67] : memref<1x48x128xf32, #tpu.memory_space<vmem>>, vector<1x48x128xf32>
    %get3A_69 = vector.shape_cast %get3A_68 : vector<1x48x128xf32> to vector<48x128xf32>
    %mul3A_70 = arith.constant 2.000000e-01 : f32
    %mul3A_71 = vector.broadcast %mul3A_70 : f32 to vector<48x128xf32>
    %mul3A_72 = arith.mulf %get3A_69, %mul3A_71 : vector<48x128xf32>
    %exp3A_73 = math.exp %mul3A_72 : vector<48x128xf32>
    %mul3A_74 = arith.mulf %sub3A_19, %exp3A_73 : vector<48x128xf32>
    %mul3A_75 = arith.constant 5.000000e-01 : f32
    %mul3A_76 = vector.broadcast %mul3A_75 : f32 to vector<48x128xf32>
    %mul3A_77 = arith.mulf %mul3A_76, %mul3A_64 : vector<48x128xf32>
    %sub3A_78 = arith.subf %add3A_36, %mul3A_77 : vector<48x128xf32>
    %mul3A_79 = arith.constant 5.000000e-01 : f32
    %mul3A_80 = vector.broadcast %mul3A_79 : f32 to vector<48x128xf32>
    %mul3A_81 = arith.mulf %mul3A_80, %mul3A_74 : vector<48x128xf32>
    %sub3A_82 = arith.subf %add3A_55, %mul3A_81 : vector<48x128xf32>
    %add3A_83 = arith.addf %sub3A_78, %mul3A_64 : vector<48x128xf32>
    %add3A_84 = arith.addf %sub3A_82, %mul3A_74 : vector<48x128xf32>
    %jit3A = arith.constant 0.000000e+00 : f32
    %jit3A_85 = arith.constant 1.000000e+00 : f32
    %max3A = vector.broadcast %jit3A : f32 to vector<48x128xf32>
    %max3A_86 = arith.maximumf %max3A, %sub3A_78 : vector<48x128xf32>
    %min3A = vector.broadcast %jit3A_85 : f32 to vector<48x128xf32>
    %min3A_87 = arith.minimumf %min3A, %max3A_86 : vector<48x128xf32>
    %jit3A_88 = arith.constant 0.000000e+00 : f32
    %jit3A_89 = arith.constant 1.000000e+00 : f32
    %max3A_90 = vector.broadcast %jit3A_88 : f32 to vector<48x128xf32>
    %max3A_91 = arith.maximumf %max3A_90, %sub3A_82 : vector<48x128xf32>
    %min3A_92 = vector.broadcast %jit3A_89 : f32 to vector<48x128xf32>
    %min3A_93 = arith.minimumf %min3A_92, %max3A_91 : vector<48x128xf32>
    %jit3A_94 = arith.constant 0.000000e+00 : f32
    %jit3A_95 = arith.constant 1.000000e+00 : f32
    %max3A_96 = vector.broadcast %jit3A_94 : f32 to vector<48x128xf32>
    %max3A_97 = arith.maximumf %max3A_96, %add3A_83 : vector<48x128xf32>
    %min3A_98 = vector.broadcast %jit3A_95 : f32 to vector<48x128xf32>
    %min3A_99 = arith.minimumf %min3A_98, %max3A_97 : vector<48x128xf32>
    %jit3A_100 = arith.constant 0.000000e+00 : f32
    %jit3A_101 = arith.constant 1.000000e+00 : f32
    %max3A_102 = vector.broadcast %jit3A_100 : f32 to vector<48x128xf32>
    %max3A_103 = arith.maximumf %max3A_102, %add3A_84 : vector<48x128xf32>
    %min3A_104 = vector.broadcast %jit3A_101 : f32 to vector<48x128xf32>
    %min3A_105 = arith.minimumf %min3A_104, %max3A_103 : vector<48x128xf32>
    %swap3A = arith.constant 0 : index
    %swap3A_106 = arith.constant 0 : index
    %swap3A_107 = vector.load %arg10[%swap3A, %swap3A_106] : memref<48x128xf32, #tpu.memory_space<vmem>>, vector<48x128xf32>
    tpu.vector_store %arg10[%swap3A, %swap3A_106], %min3A_87 {strides = array<i32>} : memref<48x128xf32, #tpu.memory_space<vmem>>, vector<48x128xf32>,
    %swap3A_108 = arith.constant 0 : index
    %swap3A_109 = arith.constant 0 : index
    %swap3A_110 = vector.load %arg11[%swap3A_108, %swap3A_109] : memref<48x128xf32, #tpu.memory_space<vmem>>, vector<48x128xf32>
    tpu.vector_store %arg11[%swap3A_108, %swap3A_109], %min3A_93 {strides = array<i32>} : memref<48x128xf32, #tpu.memory_space<vmem>>, vector<48x128xf32>,
    %swap3A_111 = arith.constant 0 : index
    %swap3A_112 = arith.constant 0 : index
    %swap3A_113 = vector.load %arg12[%swap3A_111, %swap3A_112] : memref<48x128xf32, #tpu.memory_space<vmem>>, vector<48x128xf32>
    tpu.vector_store %arg12[%swap3A_111, %swap3A_112], %min3A_99 {strides = array<i32>} : memref<48x128xf32, #tpu.memory_space<vmem>>, vector<48x128xf32>,
    %swap3A_114 = arith.constant 0 : index
    %swap3A_115 = arith.constant 0 : index
    %swap3A_116 = vector.load %arg13[%swap3A_114, %swap3A_115] : memref<48x128xf32, #tpu.memory_space<vmem>>, vector<48x128xf32>
    tpu.vector_store %arg13[%swap3A_114, %swap3A_115], %min3A_105 {strides = array<i32>} : memref<48x128xf32, #tpu.memory_space<vmem>>, vector<48x128xf32>,
    %sub3A_117 = arith.subf %min3A_99, %min3A_87 : vector<48x128xf32>
    %sub3A_118 = arith.subf %min3A_105, %min3A_93 : vector<48x128xf32>
    %mul3A_119 = arith.mulf %sub3A_117, %sub3A_118 : vector<48x128xf32>
    %swap3A_120 = arith.constant 0 : index
    %swap3A_121 = arith.constant 0 : index
    %swap3A_122 = vector.load %arg14[%swap3A_120, %swap3A_121] : memref<48x128xf32, #tpu.memory_space<vmem>>, vector<48x128xf32>
    tpu.vector_store %arg14[%swap3A_120, %swap3A_121], %mul3A_119 {strides = array<i32>} : memref<48x128xf32, #tpu.memory_space<vmem>>, vector<48x128xf32>,
    %broadcast_in_dim3A = arith.constant 0.000000e+00 : f32
    %broadcast_in_dim3A_123 = vector.broadcast %broadcast_in_dim3A : f32 to vector<48x128xf32>
    %swap3A_124 = arith.constant 0 : index
    %swap3A_125 = arith.constant 0 : index
    %swap3A_126 = vector.load %arg15[%swap3A_124, %swap3A_125] : memref<48x128xf32, #tpu.memory_space<vmem>>, vector<48x128xf32>
    tpu.vector_store %arg15[%swap3A_124, %swap3A_125], %broadcast_in_dim3A_123 {strides = array<i32>} : memref<48x128xf32, #tpu.memory_space<vmem>>, vector<48x128xf32>,
    %broadcast_in_dim3A_127 = arith.constant 0.000000e+00 : f32
    %broadcast_in_dim3A_128 = vector.broadcast %broadcast_in_dim3A_127 : f32 to vector<2000x4xf32>
    %swap3A_129 = arith.constant 0 : index
    %swap3A_130 = arith.constant 0 : index
    %swap3A_131 = arith.constant 0 : index
    %swap3A_132 = vector.load %arg9[%swap3A_129, %swap3A_130, %swap3A_131] : memref<1x2000x4xf32, #tpu.memory_space<vmem>>, vector<1x2000x4xf32>
    %swap3A_133 = vector.shape_cast %swap3A_132 : vector<1x2000x4xf32> to vector<2000x4xf32>
    %swap3A_134 = vector.shape_cast %broadcast_in_dim3A_128 : vector<2000x4xf32> to vector<1x2000x4xf32>
    tpu.vector_store %arg9[%swap3A_129, %swap3A_130, %swap3A_131], %swap3A_134 {strides = array<i32>} : memref<1x2000x4xf32, #tpu.memory_space<vmem>>, vector<1x2000x4xf32>,
    %iota3A = tpu.iota {dimensions = array<i32: 1>} : vector<1x128xi32>
    %iota3A_135 = tpu.iota {dimensions = array<i32: 0>} : vector<48x128xi32>
    %mul3A_136 = arith.constant 128 : i32
    %mul3A_137 = vector.broadcast %mul3A_136 : i32 to vector<48x128xi32>
    %mul3A_138 = arith.muli %iota3A_135, %mul3A_137 : vector<48x128xi32>
    %iota3A_139 = tpu.iota {dimensions = array<i32: 1>} : vector<48x128xi32>
    %add3A_140 = arith.addi %mul3A_138, %iota3A_139 : vector<48x128xi32>
    %while3A = arith.constant 0 : i32
    %while3A_141 = arith.constant 0 : i32
    %while3A_142:2 = scf.while (%while3A_143 = %while3A, %while3A_144 = %while3A_141) : (i32, i32) -> (i32, i32) {
      %lt3A = arith.constant 6000 : i32
      %lt3A_145 = arith.cmpi slt, %while3A_143, %lt3A : i32
      %lt3A_146 = arith.constant 2000 : i32
      %lt3A_147 = arith.cmpi slt, %while3A_144, %lt3A_146 : i32
      %and3A = arith.andi %lt3A_145, %lt3A_147 : i1
      scf.condition(%and3A) %while3A_143, %while3A_144 : i32, i32
    } do {
    ^bb0(%while3A_143: i32, %while3A_144: i32):
      %jit3A_145 = arith.constant 128 : i32
      %div3A = arith.divsi %while3A_143, %jit3A_145 : i32
      %sign3A = arith.constant 0 : i32
      %sign3A_146 = arith.cmpi sgt, %while3A_143, %sign3A : i32
      %sign3A_147 = arith.extui %sign3A_146 : i1 to i32
      %sign3A_148 = arith.constant 0 : i32
      %sign3A_149 = arith.cmpi slt, %while3A_143, %sign3A_148 : i32
      %sign3A_150 = arith.extui %sign3A_149 : i1 to i32
      %sign3A_151 = arith.subi %sign3A_147, %sign3A_150 : i32
      %sign3A_152 = arith.constant 0 : i32
      %sign3A_153 = arith.cmpi sgt, %jit3A_145, %sign3A_152 : i32
      %sign3A_154 = arith.extui %sign3A_153 : i1 to i32
      %sign3A_155 = arith.constant 0 : i32
      %sign3A_156 = arith.cmpi slt, %jit3A_145, %sign3A_155 : i32
      %sign3A_157 = arith.extui %sign3A_156 : i1 to i32
      %sign3A_158 = arith.subi %sign3A_154, %sign3A_157 : i32
      %ne3A = arith.cmpi ne, %sign3A_151, %sign3A_158 : i32
      %rem3A = arith.remsi %while3A_143, %jit3A_145 : i32
      %ne3A_159 = arith.constant 0 : i32
      %ne3A_160 = arith.cmpi ne, %rem3A, %ne3A_159 : i32
      %and3A = arith.andi %ne3A, %ne3A_160 : i1
      %sub3A_161 = arith.constant 1 : i32
      %sub3A_162 = arith.subi %div3A, %sub3A_161 : i32
      %select_n3A = arith.select %and3A, %sub3A_162, %div3A : i32
      %jit3A_163 = arith.constant 128 : i32
      %eq3A = arith.constant 0 : i32
      %eq3A_164 = arith.cmpi eq, %jit3A_163, %eq3A : i32
      %jit3A_165 = arith.constant 1 : i32
      %select_n3A_166 = arith.select %eq3A_164, %jit3A_165, %jit3A_163 : i32
      %rem3A_167 = arith.remsi %while3A_143, %select_n3A_166 : i32
      %ne3A_168 = arith.constant 0 : i32
      %ne3A_169 = arith.cmpi ne, %rem3A_167, %ne3A_168 : i32
      %lt3A = arith.constant 0 : i32
      %lt3A_170 = arith.cmpi slt, %rem3A_167, %lt3A : i32
      %lt3A_171 = arith.constant 0 : i32
      %lt3A_172 = arith.cmpi slt, %select_n3A_166, %lt3A_171 : i32
      %ne3A_173 = arith.xori %lt3A_170, %lt3A_172 : i1
      %and3A_174 = arith.andi %ne3A_173, %ne3A_169 : i1
      %add3A_175 = arith.addi %rem3A_167, %select_n3A_166 : i32
      %select_n3A_176 = arith.select %and3A_174, %add3A_175, %rem3A_167 : i32
      %eq3A_177 = vector.broadcast %select_n3A_176 : i32 to vector<1x128xi32>
      %eq3A_178 = arith.cmpi eq, %iota3A, %eq3A_177 : vector<1x128xi32>
      %get3A_179 = arith.index_cast %select_n3A : i32 to index
      %get3A_180 = arith.constant 0 : index
      %get3A_181 = vector.load %arg15[%get3A_179, %get3A_180] : memref<48x128xf32, #tpu.memory_space<vmem>>, vector<1x128xf32>
      %jit3A_182 = arith.constant 0.000000e+00 : f32
      %broadcast_in_dim3A_183 = vector.broadcast %jit3A_182 : f32 to vector<1x128xf32>
      %select_n3A_184 = arith.select %eq3A_178, %get3A_181, %broadcast_in_dim3A_183 : vector<1x128xi1>, vector<1x128xf32>
      %reduce_sum3A = vector.shape_cast %select_n3A_184 : vector<1x128xf32> to vector<1x1x128xf32>
      %reduce_sum3A_185 = arith.constant dense<0.000000e+00> : vector<1xf32>
      %reduce_sum3A_186 = vector.multi_reduction <add>, %reduce_sum3A, %reduce_sum3A_185 [1, 2] : vector<1x1x128xf32> to vector<1xf32>
      %reduce_sum3A_187 = vector.shape_cast %reduce_sum3A_186 : vector<1xf32> to vector<1x1x1xf32>
      %reduce_sum3A_188 = vector.extract %reduce_sum3A_187[0, 0, 0] : f32 from vector<1x1x1xf32>
      %lt3A_189 = arith.constant 5.000000e-01 : f32
      %lt3A_190 = arith.cmpf olt, %reduce_sum3A_188, %lt3A_189 : f32
      %convert_element_type3A = arith.extui %lt3A_190 : i1 to i32
      %cond3A = arith.constant 0 : i32
      %cond3A_191 = arith.cmpi ne, %convert_element_type3A, %cond3A : i32
      scf.if %cond3A_191 {
        %get3A_196 = arith.index_cast %select_n3A : i32 to index
        %get3A_197 = arith.constant 0 : index
        %get3A_198 = vector.load %arg10[%get3A_196, %get3A_197] : memref<48x128xf32, #tpu.memory_space<vmem>>, vector<1x128xf32>
        %jit3A_199 = arith.constant 0.000000e+00 : f32
        %broadcast_in_dim3A_200 = vector.broadcast %jit3A_199 : f32 to vector<1x128xf32>
        %select_n3A_201 = arith.select %eq3A_178, %get3A_198, %broadcast_in_dim3A_200 : vector<1x128xi1>, vector<1x128xf32>
        %reduce_sum3A_202 = vector.shape_cast %select_n3A_201 : vector<1x128xf32> to vector<1x1x128xf32>
        %reduce_sum3A_203 = arith.constant dense<0.000000e+00> : vector<1xf32>
        %reduce_sum3A_204 = vector.multi_reduction <add>, %reduce_sum3A_202, %reduce_sum3A_203 [1, 2] : vector<1x1x128xf32> to vector<1xf32>
        %reduce_sum3A_205 = vector.shape_cast %reduce_sum3A_204 : vector<1xf32> to vector<1x1x1xf32>
        %reduce_sum3A_206 = vector.extract %reduce_sum3A_205[0, 0, 0] : f32 from vector<1x1x1xf32>
        %get3A_207 = arith.index_cast %select_n3A : i32 to index
        %get3A_208 = arith.constant 0 : index
        %get3A_209 = vector.load %arg11[%get3A_207, %get3A_208] : memref<48x128xf32, #tpu.memory_space<vmem>>, vector<1x128xf32>
        %jit3A_210 = arith.constant 0.000000e+00 : f32
        %broadcast_in_dim3A_211 = vector.broadcast %jit3A_210 : f32 to vector<1x128xf32>
        %select_n3A_212 = arith.select %eq3A_178, %get3A_209, %broadcast_in_dim3A_211 : vector<1x128xi1>, vector<1x128xf32>
        %reduce_sum3A_213 = vector.shape_cast %select_n3A_212 : vector<1x128xf32> to vector<1x1x128xf32>
        %reduce_sum3A_214 = arith.constant dense<0.000000e+00> : vector<1xf32>
        %reduce_sum3A_215 = vector.multi_reduction <add>, %reduce_sum3A_213, %reduce_sum3A_214 [1, 2] : vector<1x1x128xf32> to vector<1xf32>
        %reduce_sum3A_216 = vector.shape_cast %reduce_sum3A_215 : vector<1xf32> to vector<1x1x1xf32>
        %reduce_sum3A_217 = vector.extract %reduce_sum3A_216[0, 0, 0] : f32 from vector<1x1x1xf32>
        %get3A_218 = arith.index_cast %select_n3A : i32 to index
        %get3A_219 = arith.constant 0 : index
        %get3A_220 = vector.load %arg12[%get3A_218, %get3A_219] : memref<48x128xf32, #tpu.memory_space<vmem>>, vector<1x128xf32>
        %jit3A_221 = arith.constant 0.000000e+00 : f32
        %broadcast_in_dim3A_222 = vector.broadcast %jit3A_221 : f32 to vector<1x128xf32>
        %select_n3A_223 = arith.select %eq3A_178, %get3A_220, %broadcast_in_dim3A_222 : vector<1x128xi1>, vector<1x128xf32>
        %reduce_sum3A_224 = vector.shape_cast %select_n3A_223 : vector<1x128xf32> to vector<1x1x128xf32>
        %reduce_sum3A_225 = arith.constant dense<0.000000e+00> : vector<1xf32>
        %reduce_sum3A_226 = vector.multi_reduction <add>, %reduce_sum3A_224, %reduce_sum3A_225 [1, 2] : vector<1x1x128xf32> to vector<1xf32>
        %reduce_sum3A_227 = vector.shape_cast %reduce_sum3A_226 : vector<1xf32> to vector<1x1x1xf32>
        %reduce_sum3A_228 = vector.extract %reduce_sum3A_227[0, 0, 0] : f32 from vector<1x1x1xf32>
        %get3A_229 = arith.index_cast %select_n3A : i32 to index
        %get3A_230 = arith.constant 0 : index
        %get3A_231 = vector.load %arg13[%get3A_229, %get3A_230] : memref<48x128xf32, #tpu.memory_space<vmem>>, vector<1x128xf32>
        %jit3A_232 = arith.constant 0.000000e+00 : f32
        %broadcast_in_dim3A_233 = vector.broadcast %jit3A_232 : f32 to vector<1x128xf32>
        %select_n3A_234 = arith.select %eq3A_178, %get3A_231, %broadcast_in_dim3A_233 : vector<1x128xi1>, vector<1x128xf32>
        %reduce_sum3A_235 = vector.shape_cast %select_n3A_234 : vector<1x128xf32> to vector<1x1x128xf32>
        %reduce_sum3A_236 = arith.constant dense<0.000000e+00> : vector<1xf32>
        %reduce_sum3A_237 = vector.multi_reduction <add>, %reduce_sum3A_235, %reduce_sum3A_236 [1, 2] : vector<1x1x128xf32> to vector<1xf32>
        %reduce_sum3A_238 = vector.shape_cast %reduce_sum3A_237 : vector<1xf32> to vector<1x1x1xf32>
        %reduce_sum3A_239 = vector.extract %reduce_sum3A_238[0, 0, 0] : f32 from vector<1x1x1xf32>
        %sub3A_240 = arith.subf %reduce_sum3A_228, %reduce_sum3A_206 : f32
        %sub3A_241 = arith.subf %reduce_sum3A_239, %reduce_sum3A_217 : f32
        %mul3A_242 = arith.mulf %sub3A_240, %sub3A_241 : f32
        %get3A_243 = arith.constant 0 : index
        %get3A_244 = arith.constant 0 : index
        %get3A_245 = vector.load %arg10[%get3A_243, %get3A_244] : memref<48x128xf32, #tpu.memory_space<vmem>>, vector<48x128xf32>
        %max3A_246 = vector.broadcast %reduce_sum3A_206 : f32 to vector<48x128xf32>
        %max3A_247 = arith.maximumf %max3A_246, %get3A_245 : vector<48x128xf32>
        %get3A_248 = arith.constant 0 : index
        %get3A_249 = arith.constant 0 : index
        %get3A_250 = vector.load %arg11[%get3A_248, %get3A_249] : memref<48x128xf32, #tpu.memory_space<vmem>>, vector<48x128xf32>
        %max3A_251 = vector.broadcast %reduce_sum3A_217 : f32 to vector<48x128xf32>
        %max3A_252 = arith.maximumf %max3A_251, %get3A_250 : vector<48x128xf32>
        %get3A_253 = arith.constant 0 : index
        %get3A_254 = arith.constant 0 : index
        %get3A_255 = vector.load %arg12[%get3A_253, %get3A_254] : memref<48x128xf32, #tpu.memory_space<vmem>>, vector<48x128xf32>
        %min3A_256 = vector.broadcast %reduce_sum3A_228 : f32 to vector<48x128xf32>
        %min3A_257 = arith.minimumf %min3A_256, %get3A_255 : vector<48x128xf32>
        %get3A_258 = arith.constant 0 : index
        %get3A_259 = arith.constant 0 : index
        %get3A_260 = vector.load %arg13[%get3A_258, %get3A_259] : memref<48x128xf32, #tpu.memory_space<vmem>>, vector<48x128xf32>
        %min3A_261 = vector.broadcast %reduce_sum3A_239 : f32 to vector<48x128xf32>
        %min3A_262 = arith.minimumf %min3A_261, %get3A_260 : vector<48x128xf32>
        %sub3A_263 = arith.subf %min3A_257, %max3A_247 : vector<48x128xf32>
        %max3A_264 = arith.constant 0.000000e+00 : f32
        %max3A_265 = vector.broadcast %max3A_264 : f32 to vector<48x128xf32>
        %max3A_266 = arith.maximumf %sub3A_263, %max3A_265 : vector<48x128xf32>
        %sub3A_267 = arith.subf %min3A_262, %max3A_252 : vector<48x128xf32>
        %max3A_268 = arith.constant 0.000000e+00 : f32
        %max3A_269 = vector.broadcast %max3A_268 : f32 to vector<48x128xf32>
        %max3A_270 = arith.maximumf %sub3A_267, %max3A_269 : vector<48x128xf32>
        %mul3A_271 = arith.mulf %max3A_266, %max3A_270 : vector<48x128xf32>
        %get3A_272 = arith.constant 0 : index
        %get3A_273 = arith.constant 0 : index
        %get3A_274 = vector.load %arg14[%get3A_272, %get3A_273] : memref<48x128xf32, #tpu.memory_space<vmem>>, vector<48x128xf32>
        %add3A_275 = vector.broadcast %mul3A_242 : f32 to vector<48x128xf32>
        %add3A_276 = arith.addf %add3A_275, %get3A_274 : vector<48x128xf32>
        %sub3A_277 = arith.subf %add3A_276, %mul3A_271 : vector<48x128xf32>
        %mul3A_278 = arith.constant 0.699999988 : f32
        %mul3A_279 = vector.broadcast %mul3A_278 : f32 to vector<48x128xf32>
        %mul3A_280 = arith.mulf %mul3A_279, %sub3A_277 : vector<48x128xf32>
        %gt3A = arith.cmpf ogt, %mul3A_271, %mul3A_280 : vector<48x128xf32>
        %gt3A_281 = vector.broadcast %while3A_143 : i32 to vector<48x128xi32>
        %gt3A_282 = arith.cmpi sgt, %add3A_140, %gt3A_281 : vector<48x128xi32>
        %and3A_283 = arith.andi %gt3A, %gt3A_282 : vector<48x128xi1>
        %get3A_284 = arith.constant 0 : index
        %get3A_285 = arith.constant 0 : index
        %get3A_286 = vector.load %arg15[%get3A_284, %get3A_285] : memref<48x128xf32, #tpu.memory_space<vmem>>, vector<48x128xf32>
        %convert_element_type3A_287 = arith.extui %and3A_283 : vector<48x128xi1> to vector<48x128xi32>
        %convert_element_type3A_288 = arith.sitofp %convert_element_type3A_287 : vector<48x128xi32> to vector<48x128xf32>
        %max3A_289 = arith.maximumf %get3A_286, %convert_element_type3A_288 : vector<48x128xf32>
        %swap3A_290 = arith.constant 0 : index
        %swap3A_291 = arith.constant 0 : index
        %swap3A_292 = vector.load %arg15[%swap3A_290, %swap3A_291] : memref<48x128xf32, #tpu.memory_space<vmem>>, vector<48x128xf32>
        tpu.vector_store %arg15[%swap3A_290, %swap3A_291], %max3A_289 {strides = array<i32>} : memref<48x128xf32, #tpu.memory_space<vmem>>, vector<48x128xf32>,
        %reshape3A = vector.broadcast %reduce_sum3A_206 : f32 to vector<1x1xf32>
        %swap3A_293 = arith.constant 0 : index
        %swap3A_294 = arith.index_cast %while3A_144 : i32 to index
        %swap3A_295 = arith.constant 0 : index
        %swap3A_296 = vector.load %arg9[%swap3A_293, %swap3A_294, %swap3A_295] : memref<1x2000x4xf32, #tpu.memory_space<vmem>>, vector<1x1x1xf32>
        %swap3A_297 = vector.shape_cast %swap3A_296 : vector<1x1x1xf32> to vector<1x1xf32>
        %swap3A_298 = vector.shape_cast %reshape3A : vector<1x1xf32> to vector<1x1x1xf32>
        tpu.vector_store %arg9[%swap3A_293, %swap3A_294, %swap3A_295], %swap3A_298 {strides = array<i32>} : memref<1x2000x4xf32, #tpu.memory_space<vmem>>, vector<1x1x1xf32>,
        %reshape3A_299 = vector.broadcast %reduce_sum3A_217 : f32 to vector<1x1xf32>
        %swap3A_300 = arith.constant 0 : index
        %swap3A_301 = arith.index_cast %while3A_144 : i32 to index
        %swap3A_302 = arith.constant 1 : index
        %swap3A_303 = vector.load %arg9[%swap3A_300, %swap3A_301, %swap3A_302] : memref<1x2000x4xf32, #tpu.memory_space<vmem>>, vector<1x1x1xf32>
        %swap3A_304 = vector.shape_cast %swap3A_303 : vector<1x1x1xf32> to vector<1x1xf32>
        %swap3A_305 = vector.shape_cast %reshape3A_299 : vector<1x1xf32> to vector<1x1x1xf32>
        tpu.vector_store %arg9[%swap3A_300, %swap3A_301, %swap3A_302], %swap3A_305 {strides = array<i32>} : memref<1x2000x4xf32, #tpu.memory_space<vmem>>, vector<1x1x1xf32>,
        %reshape3A_306 = vector.broadcast %reduce_sum3A_228 : f32 to vector<1x1xf32>
        %swap3A_307 = arith.constant 0 : index
        %swap3A_308 = arith.index_cast %while3A_144 : i32 to index
        %swap3A_309 = arith.constant 2 : index
        %swap3A_310 = vector.load %arg9[%swap3A_307, %swap3A_308, %swap3A_309] : memref<1x2000x4xf32, #tpu.memory_space<vmem>>, vector<1x1x1xf32>
        %swap3A_311 = vector.shape_cast %swap3A_310 : vector<1x1x1xf32> to vector<1x1xf32>
        %swap3A_312 = vector.shape_cast %reshape3A_306 : vector<1x1xf32> to vector<1x1x1xf32>
        tpu.vector_store %arg9[%swap3A_307, %swap3A_308, %swap3A_309], %swap3A_312 {strides = array<i32>} : memref<1x2000x4xf32, #tpu.memory_space<vmem>>, vector<1x1x1xf32>,
        %reshape3A_313 = vector.broadcast %reduce_sum3A_239 : f32 to vector<1x1xf32>
        %swap3A_314 = arith.constant 0 : index
        %swap3A_315 = arith.index_cast %while3A_144 : i32 to index
        %swap3A_316 = arith.constant 3 : index
        %swap3A_317 = vector.load %arg9[%swap3A_314, %swap3A_315, %swap3A_316] : memref<1x2000x4xf32, #tpu.memory_space<vmem>>, vector<1x1x1xf32>
        %swap3A_318 = vector.shape_cast %swap3A_317 : vector<1x1x1xf32> to vector<1x1xf32>
        %swap3A_319 = vector.shape_cast %reshape3A_313 : vector<1x1xf32> to vector<1x1x1xf32>
        tpu.vector_store %arg9[%swap3A_314, %swap3A_315, %swap3A_316], %swap3A_319 {strides = array<i32>} : memref<1x2000x4xf32, #tpu.memory_space<vmem>>, vector<1x1x1xf32>,
      } else {
      }
      %add3A_192 = arith.constant 1 : i32
      %add3A_193 = arith.addi %while3A_143, %add3A_192 : i32
      %convert_element_type3A_194 = arith.extui %lt3A_190 : i1 to i32
      %add3A_195 = arith.addi %while3A_144, %convert_element_type3A_194 : i32
      scf.yield %add3A_193, %add3A_195 : i32, i32
    }
    return
  }
  func.func @transform_0(%arg0: i32) -> (i32, i32, i32) {
    %c0_i32 = arith.constant 0 : i32
    %c0_i32_0 = arith.constant 0 : i32
    %c0_i32_1 = arith.constant 0 : i32
    return %arg0, %c0_i32, %c0_i32_0 : i32, i32, i32
  }
  func.func @transform_1(%arg0: i32) -> (i32, i32, i32) {
    %c0_i32 = arith.constant 0 : i32
    %c0_i32_0 = arith.constant 0 : i32
    %c0_i32_1 = arith.constant 0 : i32
    return %arg0, %c0_i32, %c0_i32_0 : i32, i32, i32
  }
  func.func @transform_2(%arg0: i32) -> (i32, i32, i32) {
    %c0_i32 = arith.constant 0 : i32
    %c0_i32_0 = arith.constant 0 : i32
    %c0_i32_1 = arith.constant 0 : i32
    return %arg0, %c0_i32, %c0_i32_0 : i32, i32, i32
  }
  func.func @transform_3(%arg0: i32) -> (i32, i32, i32) {
    %c0_i32 = arith.constant 0 : i32
    %c0_i32_0 = arith.constant 0 : i32
    %c0_i32_1 = arith.constant 0 : i32
    return %arg0, %c0_i32, %c0_i32_0 : i32, i32, i32
  }
  func.func @transform_4(%arg0: i32) -> (i32, i32, i32) {
    %c0_i32 = arith.constant 0 : i32
    %c0_i32_0 = arith.constant 0 : i32
    %c0_i32_1 = arith.constant 0 : i32
    return %arg0, %c0_i32, %c0_i32_0 : i32, i32, i32
  }
  func.func @transform_5(%arg0: i32) -> (i32, i32, i32) {
    %c0_i32 = arith.constant 0 : i32
    %c0_i32_0 = arith.constant 0 : i32
    %c0_i32_1 = arith.constant 0 : i32
    return %arg0, %c0_i32, %c0_i32_0 : i32, i32, i32
  }
  func.func @transform_6(%arg0: i32) -> (i32, i32, i32) {
    %c0_i32 = arith.constant 0 : i32
    %c0_i32_0 = arith.constant 0 : i32
    %c0_i32_1 = arith.constant 0 : i32
    return %arg0, %c0_i32, %c0_i32_0 : i32, i32, i32
  }
  func.func @transform_7(%arg0: i32) -> (i32, i32, i32) {
    %c0_i32 = arith.constant 0 : i32
    %c0_i32_0 = arith.constant 0 : i32
    %c0_i32_1 = arith.constant 0 : i32
    return %arg0, %c0_i32, %c0_i32_0 : i32, i32, i32
  }
  func.func @transform_8(%arg0: i32) -> (i32, i32, i32) {
    %c0_i32 = arith.constant 0 : i32
    %c0_i32_0 = arith.constant 0 : i32
    %c0_i32_1 = arith.constant 0 : i32
    return %arg0, %c0_i32, %c0_i32_0 : i32, i32, i32
  }
}

</mosaic_0001>

<sc_bundles>
// kernel: gather_offload_async_start.1
scs
__scs_entry_jumppad:
0x0: {  	(pc) =	sbr.rel $0x88, $3  }
0x1: {  	(tag) =	ssettag $0x0;
	lr =	simm.s32 $0x1  }
0x2: {  	[smem:$0x3F9E] =	sst lr;
	_ =	strace $0xD0000000  }
0x3: {  	_ = 	snop  }
0x4: {  	_ = 	snop  }
0x5: {  	_ = 	snop  }
0x6: {  	_ = 	snop  }
0x7: {  	_ = 	snop  }
__scs_overlays_trampoline_lowered:
0x8: {  	[smem:$0x3FAD] =	sst s0  }
0x9: {  	[smem:$0x3FAE] =	sst s1  }
0xa: {  	[smem:$0x3FAF] =	sst s2  }
0xb: {  	[smem:$0x3FB0] =	sst s3  }
0xc: {  	[smem:$0x3FB1] =	sst s4  }
0xd: {  	[smem:$0x3FB2] =	sst s5  }
0xe: {  	[smem:$0x3FB3] =	sst s6  }
0xf: {  	[smem:$0x3FB4] =	sst s7  }
0x10: {  	[smem:$0x3FB5] =	sst s8  }
0x11: {  	[smem:$0x3FB6] =	sst s9;
	s0 =	simm.s32 @!p0 $0x0  }
0x12: {  	s1 =	sld [smem:$0x3F9C];
	s0 =	simm.s32 @p0 $0x1  }
0x13: {  	[smem:$0x3FB7] =	sst s0;
	s0 =	simm.s32 @!p1 $0x0  }
0x14: {  	s2 =	sld [smem:$0x3F9B];
	s0 =	simm.s32 @p1 $0x1  }
0x15: {  	[smem:$0x3FB8] =	sst s0;
	s0 =	simm.s32 @!p2 $0x0  }
0x16: {  	s3 =	sld [smem:$0x3FDB];
	s0 =	simm.s32 @p2 $0x1  }
0x17: {  	s4 =	simm.s32 $0x1BF5;
	[smem:$0x3FBA] =	sst s0  }
0x18: {  	s0 =	sld [smem:$0x3F9D];
	_ =	swait.ge [sflag:s4], $0x0  }
0x19: {  	s7 =	sld [smem:$0x3F9E]  }
0x1a: {  	s8 =	sadd.s32 $0xFFFFE003, lr  }
0x1b: {  	s9 =	sadd.s32 $0xFFFFFEF7, lr;
	s5 =	simm.s32 $0xFFFFFFFF;
	p2 =	slt.u32 s8, $0xFFFFF086  }
0x1c: {  	p1 =	slt.u32 s9, $0xF7A;
	s5 =	simm.s32 @!p2 $0x0  }
0x1d: {  	s5 =	simm.s32 @p1 $0x1;
	p0 =	seq.s32 s7, s2  }
0x1e: {  	s7 =	smul.u32 @!p0 $0xF7A, s2;
	p2 =	seq.s32 @!p0 s5, $0x0  }
0x1f: {  	s9 =	smul.u32 $0xF7A, s1;
	s8 =	simm.s32 @!p0 $0x1BF5;
	p2 =	por !p2, p0  }
0x20: {  	[sflag:s8] =	ssyncset.s32 @!p0 $0xFFFFF086;
	s6 =	sadd.s32 @!p0 s3, s7;
	s7 =	simm.s32 @!p0 $0x108  }
0x21: {  	s3 =	sadd.s32 s3, s9;
	s6 =	sadd.s32 @!p0 $0x88, s6;
	s7 =	simm.s32 @p2 $0x1082  }
0x22: {  	[simem:s7], [sflag:s8] =	dma.local @!p0 [hbm:s6], $0xF7A  }
0x23: {  	s9 =	sor.u32 $0xD0000000, s2;
	s6 =	simm.s32 $0x108;
	_ =	swait.ge @!p0 [sflag:s8], $0x0  }
0x24: {  	s3 =	sadd.s32 $0x88, s3;
	s6 =	simm.s32 @!p1 $0x1082;
	[sflag:s4] =	ssyncset.s32 $0xFFFFF086  }
0x25: {  	[simem:s6], [sflag:s4] =	dma.local [hbm:s3], $0xF7A  }
0x26: {  	[smem:$0x3F9E] =	sst s1;
	(tag) =	ssettag s2;
	_ =	strace s9  }
0x27: {  	s1 =	sld [smem:$0x3FAE]  }
0x28: {  	s2 =	sld [smem:$0x3FAF]  }
0x29: {  	s4 =	sld [smem:$0x3FB1]  }
0x2a: {  	p0 =	seq.s32 s5, $0x0;
	s5 =	sld [smem:$0x3FB2]  }
0x2b: {  	s6 =	sld [smem:$0x3FB3]  }
0x2c: {  	s7 =	sld [smem:$0x3FB4]  }
0x2d: {  	s3 =	simm.s32 $0x108;
	s8 =	sld [smem:$0x3FB5]  }
0x2e: {  	s3 =	simm.s32 @!p0 $0x1082;
	s9 =	sld [smem:$0x3FB6]  }
0x2f: {  	lr =	sadd.s32 s0, s3;
	s0 =	sld [smem:$0x3FAD]  }
0x30: {  	s3 =	sld [smem:$0x3FB0]  }
0x31: {  	[smem:$0x3FB9] =	sst s10  }
0x32: {  	s10 =	sld [smem:$0x3FB7];
	_ =	sdelay $0x3  }
0x33: {  	p0 =	seq.s32 s10, $0x1;
	s10 =	sld [smem:$0x3FB9];
	_ =	sdelay $0x3  }
0x34: {  	[smem:$0x3FB9] =	sst s10  }
0x35: {  	s10 =	sld [smem:$0x3FB8];
	_ =	sdelay $0x3  }
0x36: {  	p1 =	seq.s32 s10, $0x1;
	s10 =	sld [smem:$0x3FB9];
	_ =	sdelay $0x3  }
0x37: {  	[smem:$0x3FB9] =	sst s10  }
0x38: {  	s10 =	sld [smem:$0x3FBA]  }
0x39: {  	_ = 	snop;
	(pc) =	sbr.ind lr, $3  }
0x3a: {  	_ = 	snop  }
0x3b: {  	_ = 	snop  }
0x3c: {  	p2 =	seq.s32 s10, $0x1;
	s10 =	sld [smem:$0x3FB9]  }
0x3d: {  	_ =	shalt  }
0x3e: {  	_ =	shalt  }
0x3f: {  	_ =	shalt  }
0x40: {  	_ =	shalt  }
0x41: {  	_ =	shalt  }
0x42: {  	_ =	shalt  }
0x43: {  	_ =	shalt  }
0x44: {  	_ =	shalt  }
0x45: {  	_ =	shalt  }
0x46: {  	_ =	shalt  }
0x47: {  	_ =	shalt  }
0x48: {  	_ =	shalt  }
0x49: {  	_ =	shalt  }
0x4a: {  	_ =	shalt  }
0x4b: {  	_ =	shalt  }
0x4c: {  	_ =	shalt  }
0x4d: {  	_ =	shalt  }
0x4e: {  	_ =	shalt  }
0x4f: {  	_ =	shalt  }
0x50: {  	_ =	shalt  }
0x51: {  	_ =	shalt  }
0x52: {  	_ =	shalt  }
0x53: {  	_ =	shalt  }
0x54: {  	_ =	shalt  }
0x55: {  	_ =	shalt  }
0x56: {  	_ =	shalt  }
0x57: {  	_ =	shalt  }
0x58: {  	_ =	shalt  }
0x59: {  	_ =	shalt  }
0x5a: {  	_ =	shalt  }
0x5b: {  	_ =	shalt  }
0x5c: {  	_ =	shalt  }
0x5d: {  	_ =	shalt  }
0x5e: {  	_ =	shalt  }
0x5f: {  	_ =	shalt  }
0x60: {  	_ =	shalt  }
0x61: {  	_ =	shalt  }
0x62: {  	_ =	shalt  }
0x63: {  	_ =	shalt  }
0x64: {  	_ =	shalt  }
0x65: {  	_ =	shalt  }
0x66: {  	_ =	shalt  }
0x67: {  	_ =	shalt  }
0x68: {  	_ =	shalt  }
0x69: {  	_ =	shalt  }
0x6a: {  	_ =	shalt  }
0x6b: {  	_ =	shalt  }
0x6c: {  	_ =	shalt  }
0x6d: {  	_ =	shalt  }
0x6e: {  	_ =	shalt  }
0x6f: {  	_ =	shalt  }
0x70: {  	_ =	shalt  }
0x71: {  	_ =	shalt  }
0x72: {  	_ =	shalt  }
0x73: {  	_ =	shalt  }
0x74: {  	_ =	shalt  }
0x75: {  	_ =	shalt  }
0x76: {  	_ =	shalt  }
0x77: {  	_ =	shalt  }
0x78: {  	_ =	shalt  }
0x79: {  	_ =	shalt  }
0x7a: {  	_ =	shalt  }
0x7b: {  	_ =	shalt  }
0x7c: {  	_ =	shalt  }
0x7d: {  	_ =	shalt  }
0x7e: {  	_ =	shalt  }
0x7f: {  	_ =	shalt  }
0x80: {  	_ =	shalt  }
0x81: {  	_ =	shalt  }
0x82: {  	_ =	shalt  }
0x83: {  	_ =	shalt  }
0x84: {  	_ =	shalt  }
0x85: {  	_ =	shalt  }
0x86: {  	_ =	shalt  }
0x87: {  	_ =	shalt  }
.Lfunc_end0:
.L_simem_size_0:
called_computation.1_lowered:
.L_overlay_start_0:
0x88: {  	s2 =	sld [smem:$0x3FD9]  }
0x89: {  	s3 =	sld [smem:$0x3FFE];
	_ =	sdelay $0x1  }
0x8a: {  	s1 =	srdreg.scid  }
0x8b: {  	s0 =	sand.u32 $0x1, s1  }
0x8c: {  	s17 =	sshll.u32 s0, $0xA;
	s2 =	sadd.s32 s3, s2  }
0x8d: {  	s2 =	sadd.s32 s2, s17  }
0x8e: {  	[smem:$0x3FC5] =	sst s2  }
0x8f: {  	_ = 	snop  }
0x90: {  	s2 =	sld [smem:$0x3FC8]  }
0x91: {  	s18 =	sld [smem:$0x3FD0];
	(tm) =	ssettm $0x1  }
0x92: {  	s4 =	sld [smem:$0x3FFB];
	_ =	sdelay $0x3  }
0x93: {  	_ =	strace s4  }
0x94: {  	s4 =	sld [smem:$0x3FFC];
	_ =	sdelay $0x3  }
0x95: {  	_ =	strace s4  }
0x96: {  	s4 =	sld [smem:$0x3FFD];
	_ =	sdelay $0x3  }
0x97: {  	_ =	strace s4  }
0x98: {  	_ =	strace $0x8FFFFFFF  }
0x99: {  	s19 =	sld [smem:$0x3FDB];
	_ =	sdelay $0x1  }
0x9a: {  	s5 =	simm.s32 $_scs_section_size  }
0x9b: {  	s6 =	simm.s32 $_size__tile_overlayer_lowered;
	s7 =	simm.s32 $_tile_overlayer_lowered  }
0x9c: {  	s22 =	simm.s32 $0x1BFF;
	s21 =	sshll.u32 s7, $0x1;
	s4 =	sadd.s32 s5, s19  }
0x9d: {  	s8 =	simm.s32 $0x0;
	s20 =	sshll.u32 s6, $0x1;
	s6 =	sadd.s32 s21, s4  }
0x9e: {  	[timem:s8], [sflag:s22] =	dma.local [hbm:s6], s20  }
0x9f: {  	_ =	swait.ge [sflag:s22], s20  }
0xa0: {  	s5 =	ssub.s32 $0x0, s20;
	[sflag:s22] =	ssyncset.done $0x0  }
0xa1: {  	[sflag:s22] =	ssyncadd.s32 s5;
	_ =	sdelay $0x1  }
0xa2: {  	s23 =	simm.s32 $0x1B8B  }
0xa3: {  	_ =	swait.ge [sflag:s23], $0x1  }
0xa4: {  	[sflag:s23] =	ssyncset.done $0x0  }
0xa5: {  	s25 =	simm.s32 $0x1B8E;
	s24 =	sld [smem:$0x3FFE];
	[sflag:s23] =	ssyncadd.s32 $0xFFFFFFFF  }
0xa6: {  	s26 =	simm.s32 $execute0_lowered;
	[smem:$0x3FD2] =	sst s25  }
0xa7: {  	s6 =	sshll.u32 s26, $0x1;
	_ =	strace $0x80000046;
	[dreg:$0x1] =	wrdreg $0xFFFFFFFF  }
0xa8: {  	s28 =	simm.s32 $_size_execute0_lowered;
	s4 =	sadd.s32 s4, s6;
	[dreg:$0x0] =	wrdreg $0x0  }
0xa9: {  	s6 =	sshll.u32 s28, $0x1;
	[dreg:$0x2] =	wrdreg s4  }
0xaa: {  	[dreg:$0x3] =	wrdreg s6  }
0xab: {  	[dreg:$0x4] =	wrdreg $0xC0  }
0xac: {  	_ =	task [dreg:s8], $0x5FFFF  }
0xad: {  	[dreg:$0x1] =	wrdreg $0xFFFFFFFF  }
0xae: {  	[dreg:$0x0] =	wrdreg $0x60  }
0xaf: {  	[dreg:$0x2] =	wrdreg s2  }
0xb0: {  	[dreg:$0x3] =	wrdreg s18  }
0xb1: {  	[dreg:$0x4] =	wrdreg s24  }
0xb2: {  	[dreg:$0x5] =	wrdreg $0xA  }
0xb3: {  	_ =	task.clear_ibuf [dreg:s8], $0x6FFFF;
	_ =	strace $0x90000046  }
0xb4: {  	s29 =	simm.s32 $0xA;
	_ =	strace $0x80000048  }
0xb5: {  	_ =	swait.ge [sflag:s29], $0x1  }
0xb6: {  	[sflag:s29] =	ssyncadd.s32 $0xFFFFFFFF  }
0xb7: {  	_ =	strace $0x90000048  }
0xb8: {  	_ =	sfence  }
0xb9: {  	s30 =	sld [smem:$0x0];
	_ =	sdelay $0x2  }
0xba: {  	s31 =	sshll.u32 s1, $0xD;
	s1 =	sshrl.u32 s1, $0x2  }
0xbb: {  	s3 =	sand.u32 $0x4000, s31;
	s1 =	sadd.s32 s1, s30  }
0xbc: {  	s0 =	sor.u32 s3, s0;
	s1 =	sshll.u32 s1, $0x11  }
0xbd: {  	s0 =	sor.u32 s1, s0  }
0xbe: {  	s0 =	sadd.s32 $0x8F2B, s0  }
0xbf: {  	[sflag:s0] =	ssyncadd.remote.s32 $0x1  }
0xc0: {  	_ =	sfence.sel $0xFFFF  }
0xc1: {  	[dreg:$0x0] =	wrdreg $0xFFFFFFFF;
	(pc) =	sbr.abs _section_cstart, $3  }
0xc2: {  	[dreg:$0x1] =	wrdreg $0xFFFFFFFF  }
0xc3: {  	_ =	task.clear_ibuf [dreg:s8], $0x2FFFF;
	_ =	strace $0x9FFFFFFF  }
0xc4: {  	(tm) =	ssettm $0x7FFFFFFF  }
0xc5: {  	_ =	shalt  }
tec
execute0_lowered:
.L_overlay_start_1:
0x0: {  	(tag) =	ssettag $0x1  }
0x1: {  	s2 =	rddreg [dreg:$0x0]  }
0x2: {  	s1 =	srdreg.scid;
	s3 =	rddreg [dreg:$0x1]  }
0x3: {  	s0 =	stileid.u32;
	s5 =	rddreg [dreg:$0x2]  }
0x4: {  	s9 =	simm.s32 $0x1;
	s10 =	simm.s32 $0x3;
	s1 =	sshll.u32 s1, $0x7  }
0x5: {  	s13 =	simm.s32 $0x0;
	s4 =	sshll.u32 s0, $0x8;
	s6 =	sand.u32 $0x80, s1  }
0x6: {  	s12 =	simm.s32 $0x0;
	s5 =	sadd.s32 $0x10000, s5;
	s4 =	sor.u32 s4, s6  }
0x7: {  	s1 =	rddreg [dreg:$0x3];
	_ =	strace $0x80000047;
	s8 =	ssub.s32 $0x2F00, s4  }
.Ltmp0:
0x8: {  	s6 =	simm.s32 $0x1;
	s7 =	sand.u32 $0xF80, s8;
	(pc) =	sbr.rel .LBB2_1-.Ltmp0, $4  }
0x9: {  	[sflag:s6] =	ssyncpa.u1 $0x0;
	s11 =	smov.u32 s4;
	p0 =	sne.s32 s7, $0x0  }
0xa: {  	s8 =	sshrl.u32 s8, $0xC;
	s7 =	simm.s32 $0x2;
	s9 =	simm.s32 @!p0 $0x0  }
0xb: {  	[sflag:s7] =	ssyncpa.u1 $0x0;
	p0 =	por $0x0, $0x0;
	s8 =	sadd.s32 s9, s8  }
0xc: {  	vm0 =	vmmov $0xffff;
	v0 =	vimm.s32 $0x0;
	v1 =	vlaneseq.u32;
	[sflag:s10] =	ssyncpa.u1 $0x0;
	s10 =	simm.s32 $0x0;
	s9 =	sadd.s32 $0x1, s8  }
.LBB2_4:
0xd: {  	_ =	sdelay $0x3  }
0xe: {  	[tilespmem:s21], [sflag:$0x1] =	stream.indirect_vreg.gather [hbm4b:s2+s10], $0x1, v2, vm0, $0x4038;
	[tilespmem:$0x500] =	vst v63  }
0xf: {  	s15 =	sadd.s32 s17, s15  }
0x10: {  	v2 =	vld.msk [tilespmem:s15+$0x0 ss:$0x1], $0xffff;
	_ =	sdelay $0x4  }
0x11: {  	v3 =	vshrl.u32 v2, $0x1  }
0x12: {  	v4 =	vand.u32 $0x1, v2;
	vm1 =	veq.s32 v2, $0x80000000;
	v2 =	vand.u32 $0x3FFFF, v3  }
0x13: {  	p1 =	sgt.s32 s18, $0x0;
	vm2 =	veq.s32 v4, $0x1;
	v2 =	vsel vm1, $0xFFFFFFFF, v2  }
0x14: {  	s18 =	simm.s32 @!p1 $0x0;
	v3 =	vsel vm2, $0xFFC00, v0;
	v61 =	vshll.u32 v2, $0x2  }
0x15: {  	s26 =	smin.u32 s18, $0x10;
	v3 =	vsel vm1, $0xFFF00400, v3;
	v4 =	vand.u32 $0xFFFFFE00, v61  }
0x16: {  	v62 =	vmov s26;
	v2 =	vand.u32 $0x7F, v2;
	v3 =	vadd.s32 v3, v4  }
0x17: {  	vm1 =	vgt.u32 v62, v1;
	v2 =	vor.u32 v2, v3  }
0x18: {  	v3 =	vnsel vm1, $0x7FFFFFFF, v2;
	_ =	sdelay $0x1  }
0x19: {  	v63 =	vor.u32 $0x80, v2  }
0x1a: {  	(ifvalue) =	ssetifvalue $0x7FFFFFFF;
	v4 =	vnsel vm1, $0x7FFFFFFF, v63  }
0x1b: {  	s28 =	sadd.s32 s17, s16;
	(ifvalue) =	ssetifvalue $0x7FFFFFFF  }
0x1c: {  	v5 =	vor.u32 $0x100, v2;
	[tilespmem:s28], [sflag:$0x1] =	stream.indirect_vreg.gather [hbm4b:s2+s10], $0x1, v3, vm0, $0x4038;
	[tilespmem:$0x500] =	vst v63  }
0x1d: {  	(ifvalue) =	ssetifvalue $0x7FFFFFFF;
	v3 =	vnsel vm1, $0x7FFFFFFF, v5  }
0x1e: {  	s16 =	sadd.s32 $0x80, s28;
	(ifvalue) =	ssetifvalue $0x7FFFFFFF  }
0x1f: {  	v2 =	vor.u32 $0x180, v2;
	[tilespmem:s16], [sflag:$0x1] =	stream.indirect_vreg.gather [hbm4b:s2+s10], $0x1, v4, vm0, $0x4038;
	[tilespmem:$0x500] =	vst v63  }
0x20: {  	v2 =	vnsel vm1, $0x7FFFFFFF, v2;
	(ifvalue) =	ssetifvalue $0x7FFFFFFF  }
0x21: {  	s29 =	sadd.s32 $0x100, s28;
	(ifvalue) =	ssetifvalue $0x7FFFFFFF  }
0x22: {  	[tilespmem:s29], [sflag:$0x1] =	stream.indirect_vreg.gather [hbm4b:s2+s10], $0x1, v3, vm0, $0x4038;
	[tilespmem:$0x500] =	vst v63  }
0x23: {  	(ifvalue) =	ssetifvalue $0x7FFFFFFF  }
0x24: {  	s30 =	sshll.u32 s13, $0x2;
	s15 =	sadd.s32 $0x180, s28;
	(ifvalue) =	ssetifvalue $0x7FFFFFFF  }
0x25: {  	[tilespmem:s15], [sflag:$0x1] =	stream.indirect_vreg.gather [hbm4b:s2+s10], $0x1, v2, vm0, $0x4038;
	[tilespmem:$0x500] =	vst v63  }
0x26: {  	s31 =	sand.u32 $0x78, s13;
	s15 =	sand.u32 $0xFFFFFE00, s30  }
0x27: {  	_ =	swait.ge [sflag:s6], $0x200;
	s13 =	sor.u32 s31, s15  }
0x28: {  	[sflag:s6] =	ssyncset.done $0x0;
	s13 =	sshrl.u32 s13, $0x3  }
0x29: {  	[sflag:s6] =	ssyncadd.s32 $0xFFFFFE00;
	s13 =	sadd.s32 s5, s13  }
0x2a: {  	[hbm:s13] =	stream.linear.scatter [tilespmem:s14], [sflag:$0x3], $0x200, $0x38;
	[tilespmem:$0x500] =	vst v63  }
.LBB2_5:
0x2b: {  	s15 =	sadd.s32 $0x1000, s11  }
0x2c: {  	p2 =	sgt.s32 s15, $0x2EFF  }
0x2d: {  	s15 =	smov.u32 @p2 s4;
	p2 =	sne.s32 s12, s9  }
.Ltmp1:
0x2e: {  	p1 =	slt.u32 s12, $0x2;
	(pc) =	sbr.rel @!p2 .LBB2_6-.Ltmp1, $4  }
0x2f: {  	s14 =	simm.s32 @!p1 $0x3  }
0x30: {  	s16 =	sadd.s32 $0x1, s12;
	_ =	swait.ge @!p1 [sflag:s14], $0x200  }
0x31: {  	s13 =	smov.u32 s11;
	p0 =	por !p0, !p0;
	[sflag:s14] =	ssyncset.done @!p1 $0x0  }
0x32: {  	s12 =	smov.u32 s16;
	s11 =	smov.u32 s15;
	[sflag:s14] =	ssyncadd.s32 @!p1 $0xFFFFFE00  }
.LBB2_1:
0x33: {  	p1 =	sge.u32 s12, s8  }
0x34: {  	s14 =	sxor.u32 @!p1 $0xFFFFFFFF, s12  }
0x35: {  	s31 =	sadd.s32 $0xFFFFFFFF, s12;
	s15 =	sshrl.u32 @!p1 s11, $0x3;
	s14 =	sshll.u32 @!p1 s14, $0x7  }
0x36: {  	s16 =	sand.u32 @!p1 $0x7, s11;
	s15 =	sadd.s32 @!p1 s3, s15;
	s14 =	sand.u32 @!p1 $0x80, s14  }
0x37: {  	[tilespmem:s14], [sflag:$0x2] =	stream.linear.gather @!p1 [hbm4b:s15+s16], $0x80, $0x38;
	[tilespmem:$0x500] =	vst v63  }
0x38: {  	p1 =	sge.u32 s31, s8  }
.Ltmp2:
0x39: {  	_ = 	snop;
	(pc) =	sbr.rel @p1 .LBB2_5-.Ltmp2, $1  }
0x3a: {  	_ =	sdelay $0x3  }
0x3b: {  	s14 =	simm.s32 $0x1  }
0x3c: {  	_ =	swait.ge [sflag:s7], $0x80;
	s14 =	simm.s32 @!p0 $0x0  }
0x3d: {  	[sflag:s7] =	ssyncset.done $0x0;
	s15 =	sshll.u32 s14, $0x7  }
0x3e: {  	[sflag:s7] =	ssyncadd.s32 $0xFFFFFF80;
	s16 =	sadd.s32 $0x0, s15  }
0x3f: {  	v2 =	vld.msk [tilespmem:s16+$0x0 ss:$0x1], $0xffff;
	_ =	sdelay $0x3  }
0x40: {  	s18 =	ssub.s32 $0x2EE0, s13  }
0x41: {  	p1 =	slt.s32 s18, $0x80;
	v3 =	vshrl.u32 v2, $0x1  }
0x42: {  	s18 =	simm.s32 @!p1 $0x80;
	v4 =	vand.u32 $0x1, v2;
	vm1 =	veq.s32 v2, $0x80000000;
	v2 =	vand.u32 $0x3FFFF, v3  }
0x43: {  	p1 =	sgt.s32 s18, $0x0;
	s16 =	smov.u32 s18;
	vm2 =	veq.s32 v4, $0x1;
	v2 =	vsel vm1, $0xFFFFFFFF, v2  }
0x44: {  	s16 =	simm.s32 @!p1 $0x0;
	v3 =	vsel vm2, $0xFFC00, v0;
	v61 =	vshll.u32 v2, $0x2  }
0x45: {  	s16 =	smin.u32 s16, $0x10;
	v3 =	vsel vm1, $0xFFF00400, v3;
	v4 =	vand.u32 $0xFFFFFE00, v61  }
0x46: {  	v62 =	vmov s16;
	v2 =	vand.u32 $0x7F, v2;
	v3 =	vadd.s32 v3, v4  }
0x47: {  	vm1 =	vgt.u32 v62, v1;
	v2 =	vor.u32 v2, v3  }
0x48: {  	v3 =	vnsel vm1, $0x7FFFFFFF, v2;
	_ =	sdelay $0x1  }
0x49: {  	s14 =	sshll.u32 s14, $0x9;
	v63 =	vor.u32 $0x80, v2  }
0x4a: {  	(ifvalue) =	ssetifvalue $0x7FFFFFFF;
	s16 =	sor.u32 $0x100, s14;
	v4 =	vnsel vm1, $0x7FFFFFFF, v63  }
0x4b: {  	(ifvalue) =	ssetifvalue $0x7FFFFFFF;
	s19 =	sadd.s32 $0x0, s16  }
0x4c: {  	v5 =	vor.u32 $0x100, v2;
	[tilespmem:s19], [sflag:$0x1] =	stream.indirect_vreg.gather [hbm4b:s2+s10], $0x1, v3, vm0, $0x4038;
	[tilespmem:$0x500] =	vst v63  }
0x4d: {  	(ifvalue) =	ssetifvalue $0x7FFFFFFF;
	v3 =	vnsel vm1, $0x7FFFFFFF, v5  }
0x4e: {  	s17 =	sadd.s32 $0x80, s19;
	(ifvalue) =	ssetifvalue $0x7FFFFFFF  }
0x4f: {  	v2 =	vor.u32 $0x180, v2;
	[tilespmem:s17], [sflag:$0x1] =	stream.indirect_vreg.gather [hbm4b:s2+s10], $0x1, v4, vm0, $0x4038;
	[tilespmem:$0x500] =	vst v63  }
0x50: {  	s30 =	sshll.u32 s12, $0x9;
	s20 =	simm.s32 $0x80;
	v2 =	vnsel vm1, $0x7FFFFFFF, v2;
	(ifvalue) =	ssetifvalue $0x7FFFFFFF  }
0x51: {  	s14 =	sand.u32 $0x200, s30;
	s31 =	sadd.s32 $0x100, s19;
	(ifvalue) =	ssetifvalue $0x7FFFFFFF  }
0x52: {  	[tilespmem:s31], [sflag:$0x1] =	stream.indirect_vreg.gather [hbm4b:s2+s10], $0x1, v3, vm0, $0x4038;
	[tilespmem:$0x500] =	vst v63  }
0x53: {  	s18 =	sadd.s32 $0xFFFFFFF0, s18;
	s14 =	sor.u32 $0x100, s14;
	(ifvalue) =	ssetifvalue $0x7FFFFFFF  }
0x54: {  	s21 =	sadd.s32 $0x180, s19;
	s17 =	simm.s32 $0x10;
	(ifvalue) =	ssetifvalue $0x7FFFFFFF  }
.LBB2_3:
0x55: {  	[tilespmem:s21], [sflag:$0x1] =	stream.indirect_vreg.gather [hbm4b:s2+s10], $0x1, v2, vm0, $0x4038;
	[tilespmem:$0x500] =	vst v63  }
0x56: {  	s19 =	smov.u32 s20  }
0x57: {  	s22 =	sadd.s32 s17, s15;
	s21 =	sshra.s32 s19, $0x2;
	s19 =	sadd.s32 $0x40, s20  }
0x58: {  	p1 =	sne.s32 s20, $0x1C0;
	v2 =	vld.msk [tilespmem:s22+$0x0 ss:$0x1], $0xffff  }
0x59: {  	(ifvalue) =	ssetifvalue $0x7FFFFFFF;
	_ =	sdelay $0x4  }
0x5a: {  	v3 =	vshrl.u32 v2, $0x1;
	v4 =	vand.u32 $0x1, v2  }
0x5b: {  	vm1 =	veq.s32 v2, $0x80000000;
	v2 =	vand.u32 $0x3FFFF, v3;
	vm2 =	veq.s32 v4, $0x1  }
0x5c: {  	p2 =	sgt.s32 s18, $0x0;
	s20 =	smov.u32 s18;
	v2 =	vsel vm1, $0xFFFFFFFF, v2;
	v3 =	vsel vm2, $0xFFC00, v0  }
0x5d: {  	s20 =	simm.s32 @!p2 $0x0;
	v3 =	vsel vm1, $0xFFF00400, v3;
	v4 =	vshll.u32 v2, $0x2  }
0x5e: {  	s20 =	smin.u32 s20, $0x10;
	v4 =	vand.u32 $0xFFFFFE00, v4  }
0x5f: {  	v2 =	vand.u32 $0x7F, v2;
	v3 =	vadd.s32 v3, v4;
	v4 =	vmov s20  }
0x60: {  	v2 =	vor.u32 v2, v3;
	vm1 =	vgt.u32 v4, v1  }
0x61: {  	v3 =	vnsel vm1, $0x7FFFFFFF, v2;
	v4 =	vor.u32 $0x80, v2;
	v5 =	vor.u32 $0x100, v2  }
0x62: {  	v2 =	vor.u32 $0x180, v2;
	_ =	sdelay $0x1  }
0x63: {  	v4 =	vnsel vm1, $0x7FFFFFFF, v4  }
0x64: {  	s20 =	sadd.s32 s17, s16;
	s17 =	smov.u32 s21;
	(ifvalue) =	ssetifvalue $0x7FFFFFFF  }
0x65: {  	[tilespmem:s20], [sflag:$0x1] =	stream.indirect_vreg.gather [hbm4b:s2+s10], $0x1, v3, vm0, $0x4038;
	[tilespmem:$0x500] =	vst v63  }
0x66: {  	v3 =	vnsel vm1, $0x7FFFFFFF, v5;
	(ifvalue) =	ssetifvalue $0x7FFFFFFF  }
0x67: {  	s21 =	sadd.s32 $0x80, s20;
	(ifvalue) =	ssetifvalue $0x7FFFFFFF  }
0x68: {  	[tilespmem:s21], [sflag:$0x1] =	stream.indirect_vreg.gather [hbm4b:s2+s10], $0x1, v4, vm0, $0x4038;
	[tilespmem:$0x500] =	vst v63  }
.Ltmp3:
0x69: {  	v2 =	vnsel vm1, $0x7FFFFFFF, v2;
	(ifvalue) =	ssetifvalue $0x7FFFFFFF;
	(pc) =	sbr.rel @p1 .LBB2_3-.Ltmp3, $4  }
0x6a: {  	s21 =	sadd.s32 $0x100, s20;
	(ifvalue) =	ssetifvalue $0x7FFFFFFF  }
0x6b: {  	[tilespmem:s21], [sflag:$0x1] =	stream.indirect_vreg.gather [hbm4b:s2+s10], $0x1, v3, vm0, $0x4038;
	[tilespmem:$0x500] =	vst v63  }
0x6c: {  	s18 =	sadd.s32 $0xFFFFFFF0, s18;
	(ifvalue) =	ssetifvalue $0x7FFFFFFF  }
0x6d: {  	s21 =	sadd.s32 $0x180, s20;
	s20 =	smov.u32 s19;
	(ifvalue) =	ssetifvalue $0x7FFFFFFF  }
.Ltmp4:
0x6e: {  	_ = 	snop;
	(pc) =	sbr.rel .LBB2_4-.Ltmp4, $1  }
0x6f: {  	_ =	sdelay $0x3  }
.LBB2_6:
0x70: {  	_ =	sfence.sel $0x180000  }
0x71: {  	s2 =	simm.s32 $0x2;
	[bflag:$0x0] =	sbarrier.arrive $0xFFFF  }
0x72: {  	s30 =	simm.s32 $0x3;
	[sflag:s2] =	ssyncpa.u1 $0x1  }
0x73: {  	s31 =	simm.s32 $0x1;
	[sflag:s30] =	ssyncpa.u1 $0x1  }
0x74: {  	[sflag:s31] =	ssyncpa.u1 $0x1  }
0x75: {  	p0 =	sne.s32 s0, $0x0;
	_ =	strace $0x90000047  }
0x76: {  	s0 =	sadd.s32 @!p0 $0x100000, s1;
	[bflag:$0x2] =	sbarrier.arrive $0xFFFF  }
0x77: {  	[sflag:s0] =	ssyncadd.tile.s32 @!p0 $0x1;
	_ =	shalt  }
.Lfunc_end2:
_tile_overlayer_lowered:
.L_overlay_start_2:
0x78: {  	(tag) =	ssettag $0x2  }
0x79: {  	s0 =	rddreg [dreg:$0x0];
	s2 =	stileid.u32  }
0x7a: {  	s1 =	rddreg [dreg:$0x1];
	p0 =	sne.s32 s2, $0x0  }
0x7b: {  	s3 =	rddreg [dreg:$0x2];
	[bflag:$0x3] =	sbarrier.arrive $0xFFFF;
	s2 =	simm.s32 @!p0 $0x1C01  }
0x7c: {  	[timem:s3], [sflag:s2] =	dma.local @!p0 [hbm:s0], s1  }
0x7d: {  	s0 =	simm.s32 @!p0 $0x1  }
0x7e: {  	_ =	swait.ge @!p0 [sflag:s0], s1  }
0x7f: {  	s1 =	ssub.s32 @!p0 $0x0, s1;
	[sflag:s0] =	ssyncset.done @!p0 $0x0  }
0x80: {  	[sflag:s0] =	ssyncadd.s32 @!p0 s1  }
0x81: {  	[bflag:$0x3] =	sbarrier.arrive $0xFFFF  }
0x82: {  	_ =	shalt  }

// kernel: gather_offload_async_start
scs
__scs_entry_jumppad:
0x0: {  	(pc) =	sbr.rel $0x88, $3  }
0x1: {  	(tag) =	ssettag $0x0;
	lr =	simm.s32 $0x1  }
0x2: {  	[smem:$0x3F9E] =	sst lr;
	_ =	strace $0xD0000000  }
0x3: {  	_ = 	snop  }
0x4: {  	_ = 	snop  }
0x5: {  	_ = 	snop  }
0x6: {  	_ = 	snop  }
0x7: {  	_ = 	snop  }
__scs_overlays_trampoline_lowered:
0x8: {  	[smem:$0x3FAD] =	sst s0  }
0x9: {  	[smem:$0x3FAE] =	sst s1  }
0xa: {  	[smem:$0x3FAF] =	sst s2  }
0xb: {  	[smem:$0x3FB0] =	sst s3  }
0xc: {  	[smem:$0x3FB1] =	sst s4  }
0xd: {  	[smem:$0x3FB2] =	sst s5  }
0xe: {  	[smem:$0x3FB3] =	sst s6  }
0xf: {  	[smem:$0x3FB4] =	sst s7  }
0x10: {  	[smem:$0x3FB5] =	sst s8  }
0x11: {  	[smem:$0x3FB6] =	sst s9;
	s0 =	simm.s32 @!p0 $0x0  }
0x12: {  	s1 =	sld [smem:$0x3F9C];
	s0 =	simm.s32 @p0 $0x1  }
0x13: {  	[smem:$0x3FB7] =	sst s0;
	s0 =	simm.s32 @!p1 $0x0  }
0x14: {  	s2 =	sld [smem:$0x3F9B];
	s0 =	simm.s32 @p1 $0x1  }
0x15: {  	[smem:$0x3FB8] =	sst s0;
	s0 =	simm.s32 @!p2 $0x0  }
0x16: {  	s3 =	sld [smem:$0x3FDB];
	s0 =	simm.s32 @p2 $0x1  }
0x17: {  	s4 =	simm.s32 $0x1BF5;
	[smem:$0x3FBA] =	sst s0  }
0x18: {  	s0 =	sld [smem:$0x3F9D];
	_ =	swait.ge [sflag:s4], $0x0  }
0x19: {  	s7 =	sld [smem:$0x3F9E]  }
0x1a: {  	s8 =	sadd.s32 $0xFFFFE003, lr  }
0x1b: {  	s9 =	sadd.s32 $0xFFFFFEF7, lr;
	s5 =	simm.s32 $0xFFFFFFFF;
	p2 =	slt.u32 s8, $0xFFFFF086  }
0x1c: {  	p1 =	slt.u32 s9, $0xF7A;
	s5 =	simm.s32 @!p2 $0x0  }
0x1d: {  	s5 =	simm.s32 @p1 $0x1;
	p0 =	seq.s32 s7, s2  }
0x1e: {  	s7 =	smul.u32 @!p0 $0xF7A, s2;
	p2 =	seq.s32 @!p0 s5, $0x0  }
0x1f: {  	s9 =	smul.u32 $0xF7A, s1;
	s8 =	simm.s32 @!p0 $0x1BF5;
	p2 =	por !p2, p0  }
0x20: {  	[sflag:s8] =	ssyncset.s32 @!p0 $0xFFFFF086;
	s6 =	sadd.s32 @!p0 s3, s7;
	s7 =	simm.s32 @!p0 $0x108  }
0x21: {  	s3 =	sadd.s32 s3, s9;
	s6 =	sadd.s32 @!p0 $0x88, s6;
	s7 =	simm.s32 @p2 $0x1082  }
0x22: {  	[simem:s7], [sflag:s8] =	dma.local @!p0 [hbm:s6], $0xF7A  }
0x23: {  	s9 =	sor.u32 $0xD0000000, s2;
	s6 =	simm.s32 $0x108;
	_ =	swait.ge @!p0 [sflag:s8], $0x0  }
0x24: {  	s3 =	sadd.s32 $0x88, s3;
	s6 =	simm.s32 @!p1 $0x1082;
	[sflag:s4] =	ssyncset.s32 $0xFFFFF086  }
0x25: {  	[simem:s6], [sflag:s4] =	dma.local [hbm:s3], $0xF7A  }
0x26: {  	[smem:$0x3F9E] =	sst s1;
	(tag) =	ssettag s2;
	_ =	strace s9  }
0x27: {  	s1 =	sld [smem:$0x3FAE]  }
0x28: {  	s2 =	sld [smem:$0x3FAF]  }
0x29: {  	s4 =	sld [smem:$0x3FB1]  }
0x2a: {  	p0 =	seq.s32 s5, $0x0;
	s5 =	sld [smem:$0x3FB2]  }
0x2b: {  	s6 =	sld [smem:$0x3FB3]  }
0x2c: {  	s7 =	sld [smem:$0x3FB4]  }
0x2d: {  	s3 =	simm.s32 $0x108;
	s8 =	sld [smem:$0x3FB5]  }
0x2e: {  	s3 =	simm.s32 @!p0 $0x1082;
	s9 =	sld [smem:$0x3FB6]  }
0x2f: {  	lr =	sadd.s32 s0, s3;
	s0 =	sld [smem:$0x3FAD]  }
0x30: {  	s3 =	sld [smem:$0x3FB0]  }
0x31: {  	[smem:$0x3FB9] =	sst s10  }
0x32: {  	s10 =	sld [smem:$0x3FB7];
	_ =	sdelay $0x3  }
0x33: {  	p0 =	seq.s32 s10, $0x1;
	s10 =	sld [smem:$0x3FB9];
	_ =	sdelay $0x3  }
0x34: {  	[smem:$0x3FB9] =	sst s10  }
0x35: {  	s10 =	sld [smem:$0x3FB8];
	_ =	sdelay $0x3  }
0x36: {  	p1 =	seq.s32 s10, $0x1;
	s10 =	sld [smem:$0x3FB9];
	_ =	sdelay $0x3  }
0x37: {  	[smem:$0x3FB9] =	sst s10  }
0x38: {  	s10 =	sld [smem:$0x3FBA]  }
0x39: {  	_ = 	snop;
	(pc) =	sbr.ind lr, $3  }
0x3a: {  	_ = 	snop  }
0x3b: {  	_ = 	snop  }
0x3c: {  	p2 =	seq.s32 s10, $0x1;
	s10 =	sld [smem:$0x3FB9]  }
0x3d: {  	_ =	shalt  }
0x3e: {  	_ =	shalt  }
0x3f: {  	_ =	shalt  }
0x40: {  	_ =	shalt  }
0x41: {  	_ =	shalt  }
0x42: {  	_ =	shalt  }
0x43: {  	_ =	shalt  }
0x44: {  	_ =	shalt  }
0x45: {  	_ =	shalt  }
0x46: {  	_ =	shalt  }
0x47: {  	_ =	shalt  }
0x48: {  	_ =	shalt  }
0x49: {  	_ =	shalt  }
0x4a: {  	_ =	shalt  }
0x4b: {  	_ =	shalt  }
0x4c: {  	_ =	shalt  }
0x4d: {  	_ =	shalt  }
0x4e: {  	_ =	shalt  }
0x4f: {  	_ =	shalt  }
0x50: {  	_ =	shalt  }
0x51: {  	_ =	shalt  }
0x52: {  	_ =	shalt  }
0x53: {  	_ =	shalt  }
0x54: {  	_ =	shalt  }
0x55: {  	_ =	shalt  }
0x56: {  	_ =	shalt  }
0x57: {  	_ =	shalt  }
0x58: {  	_ =	shalt  }
0x59: {  	_ =	shalt  }
0x5a: {  	_ =	shalt  }
0x5b: {  	_ =	shalt  }
0x5c: {  	_ =	shalt  }
0x5d: {  	_ =	shalt  }
0x5e: {  	_ =	shalt  }
0x5f: {  	_ =	shalt  }
0x60: {  	_ =	shalt  }
0x61: {  	_ =	shalt  }
0x62: {  	_ =	shalt  }
0x63: {  	_ =	shalt  }
0x64: {  	_ =	shalt  }
0x65: {  	_ =	shalt  }
0x66: {  	_ =	shalt  }
0x67: {  	_ =	shalt  }
0x68: {  	_ =	shalt  }
0x69: {  	_ =	shalt  }
0x6a: {  	_ =	shalt  }
0x6b: {  	_ =	shalt  }
0x6c: {  	_ =	shalt  }
0x6d: {  	_ =	shalt  }
0x6e: {  	_ =	shalt  }
0x6f: {  	_ =	shalt  }
0x70: {  	_ =	shalt  }
0x71: {  	_ =	shalt  }
0x72: {  	_ =	shalt  }
0x73: {  	_ =	shalt  }
0x74: {  	_ =	shalt  }
0x75: {  	_ =	shalt  }
0x76: {  	_ =	shalt  }
0x77: {  	_ =	shalt  }
0x78: {  	_ =	shalt  }
0x79: {  	_ =	shalt  }
0x7a: {  	_ =	shalt  }
0x7b: {  	_ =	shalt  }
0x7c: {  	_ =	shalt  }
0x7d: {  	_ =	shalt  }
0x7e: {  	_ =	shalt  }
0x7f: {  	_ =	shalt  }
0x80: {  	_ =	shalt  }
0x81: {  	_ =	shalt  }
0x82: {  	_ =	shalt  }
0x83: {  	_ =	shalt  }
0x84: {  	_ =	shalt  }
0x85: {  	_ =	shalt  }
0x86: {  	_ =	shalt  }
0x87: {  	_ =	shalt  }
.Lfunc_end0:
.L_simem_size_0:
called_computation_lowered:
.L_overlay_start_0:
0x88: {  	s2 =	sld [smem:$0x3FD9]  }
0x89: {  	s3 =	sld [smem:$0x3FFE];
	_ =	sdelay $0x1  }
0x8a: {  	s1 =	srdreg.scid  }
0x8b: {  	s0 =	sand.u32 $0x1, s1  }
0x8c: {  	s17 =	sshll.u32 s0, $0xA;
	s2 =	sadd.s32 s3, s2  }
0x8d: {  	s2 =	sadd.s32 s2, s17  }
0x8e: {  	[smem:$0x3FC5] =	sst s2  }
0x8f: {  	_ = 	snop  }
0x90: {  	s18 =	sld [smem:$0x3FC7]  }
0x91: {  	s4 =	sld [smem:$0x3FD0];
	(tm) =	ssettm $0x1  }
0x92: {  	s19 =	sld [smem:$0x3FFB];
	_ =	sdelay $0x3  }
0x93: {  	_ =	strace s19  }
0x94: {  	s2 =	sld [smem:$0x3FFC];
	_ =	sdelay $0x3  }
0x95: {  	_ =	strace s2  }
0x96: {  	s2 =	sld [smem:$0x3FFD];
	_ =	sdelay $0x3  }
0x97: {  	_ =	strace s2  }
0x98: {  	_ =	strace $0x8FFFFFFF  }
0x99: {  	s20 =	sld [smem:$0x3FDB];
	_ =	sdelay $0x1  }
0x9a: {  	s5 =	simm.s32 $_scs_section_size  }
0x9b: {  	s6 =	simm.s32 $_size__tile_overlayer_lowered;
	s7 =	simm.s32 $_tile_overlayer_lowered  }
0x9c: {  	s8 =	simm.s32 $0x1BFF;
	s21 =	sshll.u32 s7, $0x1;
	s5 =	sadd.s32 s5, s20  }
0x9d: {  	s22 =	simm.s32 $0x0;
	s6 =	sshll.u32 s6, $0x1;
	s7 =	sadd.s32 s21, s5  }
0x9e: {  	[timem:s22], [sflag:s8] =	dma.local [hbm:s7], s6  }
0x9f: {  	_ =	swait.ge [sflag:s8], s6  }
0xa0: {  	s6 =	ssub.s32 $0x0, s6;
	[sflag:s8] =	ssyncset.done $0x0  }
0xa1: {  	[sflag:s8] =	ssyncadd.s32 s6;
	_ =	sdelay $0x1  }
0xa2: {  	s23 =	simm.s32 $0x1B8B  }
0xa3: {  	_ =	swait.ge [sflag:s23], $0x1  }
0xa4: {  	[sflag:s23] =	ssyncset.done $0x0  }
0xa5: {  	[sflag:s23] =	ssyncadd.s32 $0xFFFFFFFF  }
0xa6: {  	s6 =	sld [smem:$0x0]  }
0xa7: {  	s7 =	sand.u32 $0xFFFFFFFE, s1  }
0xa8: {  	p0 =	sne.s32 s1, s7  }
0xa9: {  	s7 =	sshll.u32 @p0 s7, $0xE  }
0xaa: {  	s7 =	sadd.s32 @p0 $0x11B8D, s7;
	s8 =	sshll.u32 @p0 s6, $0x11  }
0xab: {  	s7 =	sor.u32 @p0 s8, s7  }
0xac: {  	[sflag:s7] =	ssyncadd.remote.s32 @p0 $0x1;
	_ =	sdelay $0x1  }
0xad: {  	s7 =	simm.s32 @p0 $0x1B8D  }
0xae: {  	_ =	swait.eq @p0 [sflag:s7], $0x1  }
0xaf: {  	[sflag:s7] =	ssyncadd.s32 @p0 $0xFFFFFFFF  }
0xb0: {  	s8 =	sshll.u32 @!p0 s1, $0xE  }
0xb1: {  	s8 =	sor.u32 @!p0 $0x4000, s8;
	s7 =	simm.s32 @!p0 $0x1B8D  }
0xb2: {  	s6 =	sshll.u32 @!p0 s6, $0x11;
	s8 =	sadd.s32 @!p0 $0x11B8D, s8;
	_ =	swait.eq @!p0 [sflag:s7], $0x1  }
0xb3: {  	s6 =	sor.u32 @!p0 s6, s8;
	[sflag:s7] =	ssyncadd.s32 @!p0 $0xFFFFFFFF  }
0xb4: {  	s25 =	simm.s32 $0x1B8E;
	s24 =	sld [smem:$0x3FFE];
	[sflag:s6] =	ssyncadd.remote.s32 @!p0 $0x1  }
0xb5: {  	s26 =	simm.s32 $execute0_lowered;
	[smem:$0x3FD2] =	sst s25  }
0xb6: {  	s7 =	sshll.u32 s26, $0x1;
	_ =	strace $0x80000049;
	[dreg:$0x1] =	wrdreg $0xFFFFFFFF  }
0xb7: {  	s28 =	simm.s32 $_size_execute0_lowered;
	s5 =	sadd.s32 s5, s7;
	[dreg:$0x0] =	wrdreg $0x0  }
0xb8: {  	s7 =	sshll.u32 s28, $0x1;
	[dreg:$0x2] =	wrdreg s5  }
0xb9: {  	[dreg:$0x3] =	wrdreg s7  }
0xba: {  	[dreg:$0x4] =	wrdreg $0xC0  }
0xbb: {  	_ =	task [dreg:s22], $0x5FFFF  }
0xbc: {  	[dreg:$0x1] =	wrdreg $0xFFFFFFFF  }
0xbd: {  	[dreg:$0x0] =	wrdreg $0x60  }
0xbe: {  	[dreg:$0x2] =	wrdreg s18  }
0xbf: {  	[dreg:$0x3] =	wrdreg s4  }
0xc0: {  	[dreg:$0x4] =	wrdreg s24  }
0xc1: {  	[dreg:$0x5] =	wrdreg $0x9  }
0xc2: {  	_ =	task.clear_ibuf [dreg:s22], $0x6FFFF;
	_ =	strace $0x90000049  }
0xc3: {  	s29 =	simm.s32 $0x9;
	_ =	strace $0x8000004B  }
0xc4: {  	_ =	swait.ge [sflag:s29], $0x1  }
0xc5: {  	[sflag:s29] =	ssyncadd.s32 $0xFFFFFFFF  }
0xc6: {  	_ =	strace $0x9000004B  }
0xc7: {  	_ =	sfence  }
0xc8: {  	s30 =	sld [smem:$0x0];
	_ =	sdelay $0x2  }
0xc9: {  	s31 =	sshll.u32 s1, $0xD;
	s1 =	sshrl.u32 s1, $0x2  }
0xca: {  	s4 =	sand.u32 $0x4000, s31;
	s1 =	sadd.s32 s1, s30  }
0xcb: {  	s0 =	sor.u32 s4, s0;
	s1 =	sshll.u32 s1, $0x11  }
0xcc: {  	s0 =	sor.u32 s1, s0  }
0xcd: {  	s0 =	sadd.s32 $0x8F2B, s0  }
0xce: {  	[sflag:s0] =	ssyncadd.remote.s32 $0x1  }
0xcf: {  	_ =	sfence.sel $0xFFFF  }
0xd0: {  	[dreg:$0x0] =	wrdreg $0xFFFFFFFF;
	(pc) =	sbr.abs _section_cstart, $3  }
0xd1: {  	[dreg:$0x1] =	wrdreg $0xFFFFFFFF  }
0xd2: {  	_ =	task.clear_ibuf [dreg:s22], $0x2FFFF;
	_ =	strace $0x9FFFFFFF  }
0xd3: {  	(tm) =	ssettm $0x7FFFFFFF  }
tec
execute0_lowered:
.L_overlay_start_1:
0x0: {  	(tag) =	ssettag $0x1  }
0x1: {  	s2 =	rddreg [dreg:$0x0]  }
0x2: {  	s1 =	srdreg.scid;
	s3 =	rddreg [dreg:$0x1]  }
0x3: {  	s0 =	stileid.u32;
	s5 =	rddreg [dreg:$0x2]  }
0x4: {  	s9 =	simm.s32 $0x1;
	s10 =	simm.s32 $0x3;
	s1 =	sshll.u32 s1, $0x7  }
0x5: {  	s13 =	simm.s32 $0x0;
	s4 =	sshll.u32 s0, $0x8;
	s6 =	sand.u32 $0x80, s1  }
0x6: {  	s12 =	simm.s32 $0x0;
	s5 =	sadd.s32 $0x11800, s5;
	s4 =	sor.u32 s4, s6  }
0x7: {  	s1 =	rddreg [dreg:$0x3];
	_ =	strace $0x8000004A;
	s8 =	ssub.s32 $0x2F00, s4  }
.Ltmp0:
0x8: {  	s6 =	simm.s32 $0x1;
	s7 =	sand.u32 $0xF80, s8;
	(pc) =	sbr.rel .LBB2_1-.Ltmp0, $4  }
0x9: {  	[sflag:s6] =	ssyncpa.u1 $0x0;
	s11 =	smov.u32 s4;
	p0 =	sne.s32 s7, $0x0  }
0xa: {  	s8 =	sshrl.u32 s8, $0xC;
	s7 =	simm.s32 $0x2;
	s9 =	simm.s32 @!p0 $0x0  }
0xb: {  	[sflag:s7] =	ssyncpa.u1 $0x0;
	p0 =	por $0x0, $0x0;
	s8 =	sadd.s32 s9, s8  }
0xc: {  	vm0 =	vmmov $0xffff;
	v0 =	vimm.s32 $0x0;
	v1 =	vlaneseq.u32;
	[sflag:s10] =	ssyncpa.u1 $0x0;
	s10 =	simm.s32 $0x0;
	s9 =	sadd.s32 $0x1, s8  }
.LBB2_4:
0xd: {  	_ =	sdelay $0x3  }
0xe: {  	[tilespmem:s21], [sflag:$0x1] =	stream.indirect_vreg.gather [hbm4b:s2+s10], $0x1, v2, vm0, $0x4038;
	[tilespmem:$0x500] =	vst v63  }
0xf: {  	s15 =	sadd.s32 s17, s15  }
0x10: {  	v2 =	vld.msk [tilespmem:s15+$0x0 ss:$0x1], $0xffff;
	_ =	sdelay $0x4  }
0x11: {  	v3 =	vshrl.u32 v2, $0x1  }
0x12: {  	v4 =	vand.u32 $0x1, v2;
	vm1 =	veq.s32 v2, $0x80000000;
	v2 =	vand.u32 $0x3FFFF, v3  }
0x13: {  	p1 =	sgt.s32 s18, $0x0;
	vm2 =	veq.s32 v4, $0x1;
	v2 =	vsel vm1, $0xFFFFFFFF, v2  }
0x14: {  	s18 =	simm.s32 @!p1 $0x0;
	v3 =	vsel vm2, $0xFFC00, v0;
	v61 =	vshll.u32 v2, $0x2  }
0x15: {  	s26 =	smin.u32 s18, $0x10;
	v3 =	vsel vm1, $0xFFF00400, v3;
	v4 =	vand.u32 $0xFFFFFE00, v61  }
0x16: {  	v62 =	vmov s26;
	v2 =	vand.u32 $0x7F, v2;
	v3 =	vadd.s32 v3, v4  }
0x17: {  	vm1 =	vgt.u32 v62, v1;
	v2 =	vor.u32 v2, v3  }
0x18: {  	v3 =	vnsel vm1, $0x7FFFFFFF, v2;
	_ =	sdelay $0x1  }
0x19: {  	v63 =	vor.u32 $0x80, v2  }
0x1a: {  	(ifvalue) =	ssetifvalue $0x7FFFFFFF;
	v4 =	vnsel vm1, $0x7FFFFFFF, v63  }
0x1b: {  	s28 =	sadd.s32 s17, s16;
	(ifvalue) =	ssetifvalue $0x7FFFFFFF  }
0x1c: {  	v5 =	vor.u32 $0x100, v2;
	[tilespmem:s28], [sflag:$0x1] =	stream.indirect_vreg.gather [hbm4b:s2+s10], $0x1, v3, vm0, $0x4038;
	[tilespmem:$0x500] =	vst v63  }
0x1d: {  	(ifvalue) =	ssetifvalue $0x7FFFFFFF;
	v3 =	vnsel vm1, $0x7FFFFFFF, v5  }
0x1e: {  	s16 =	sadd.s32 $0x80, s28;
	(ifvalue) =	ssetifvalue $0x7FFFFFFF  }
0x1f: {  	v2 =	vor.u32 $0x180, v2;
	[tilespmem:s16], [sflag:$0x1] =	stream.indirect_vreg.gather [hbm4b:s2+s10], $0x1, v4, vm0, $0x4038;
	[tilespmem:$0x500] =	vst v63  }
0x20: {  	v2 =	vnsel vm1, $0x7FFFFFFF, v2;
	(ifvalue) =	ssetifvalue $0x7FFFFFFF  }
0x21: {  	s29 =	sadd.s32 $0x100, s28;
	(ifvalue) =	ssetifvalue $0x7FFFFFFF  }
0x22: {  	[tilespmem:s29], [sflag:$0x1] =	stream.indirect_vreg.gather [hbm4b:s2+s10], $0x1, v3, vm0, $0x4038;
	[tilespmem:$0x500] =	vst v63  }
0x23: {  	(ifvalue) =	ssetifvalue $0x7FFFFFFF  }
0x24: {  	s30 =	sshll.u32 s13, $0x2;
	s15 =	sadd.s32 $0x180, s28;
	(ifvalue) =	ssetifvalue $0x7FFFFFFF  }
0x25: {  	[tilespmem:s15], [sflag:$0x1] =	stream.indirect_vreg.gather [hbm4b:s2+s10], $0x1, v2, vm0, $0x4038;
	[tilespmem:$0x500] =	vst v63  }
0x26: {  	s31 =	sand.u32 $0x78, s13;
	s15 =	sand.u32 $0xFFFFFE00, s30  }
0x27: {  	_ =	swait.ge [sflag:s6], $0x200;
	s13 =	sor.u32 s31, s15  }
0x28: {  	[sflag:s6] =	ssyncset.done $0x0;
	s13 =	sshrl.u32 s13, $0x3  }
0x29: {  	[sflag:s6] =	ssyncadd.s32 $0xFFFFFE00;
	s13 =	sadd.s32 s5, s13  }
0x2a: {  	[hbm:s13] =	stream.linear.scatter [tilespmem:s14], [sflag:$0x3], $0x200, $0x38;
	[tilespmem:$0x500] =	vst v63  }
.LBB2_5:
0x2b: {  	s15 =	sadd.s32 $0x1000, s11  }
0x2c: {  	p2 =	sgt.s32 s15, $0x2EFF  }
0x2d: {  	s15 =	smov.u32 @p2 s4;
	p2 =	sne.s32 s12, s9  }
.Ltmp1:
0x2e: {  	p1 =	slt.u32 s12, $0x2;
	(pc) =	sbr.rel @!p2 .LBB2_6-.Ltmp1, $4  }
0x2f: {  	s14 =	simm.s32 @!p1 $0x3  }
0x30: {  	s16 =	sadd.s32 $0x1, s12;
	_ =	swait.ge @!p1 [sflag:s14], $0x200  }
0x31: {  	s13 =	smov.u32 s11;
	p0 =	por !p0, !p0;
	[sflag:s14] =	ssyncset.done @!p1 $0x0  }
0x32: {  	s12 =	smov.u32 s16;
	s11 =	smov.u32 s15;
	[sflag:s14] =	ssyncadd.s32 @!p1 $0xFFFFFE00  }
.LBB2_1:
0x33: {  	p1 =	sge.u32 s12, s8  }
0x34: {  	s14 =	sxor.u32 @!p1 $0xFFFFFFFF, s12  }
0x35: {  	s31 =	sadd.s32 $0xFFFFFFFF, s12;
	s15 =	sshrl.u32 @!p1 s11, $0x3;
	s14 =	sshll.u32 @!p1 s14, $0x7  }
0x36: {  	s16 =	sand.u32 @!p1 $0x7, s11;
	s15 =	sadd.s32 @!p1 s3, s15;
	s14 =	sand.u32 @!p1 $0x80, s14  }
0x37: {  	[tilespmem:s14], [sflag:$0x2] =	stream.linear.gather @!p1 [hbm4b:s15+s16], $0x80, $0x38;
	[tilespmem:$0x500] =	vst v63  }
0x38: {  	p1 =	sge.u32 s31, s8  }
.Ltmp2:
0x39: {  	_ = 	snop;
	(pc) =	sbr.rel @p1 .LBB2_5-.Ltmp2, $1  }
0x3a: {  	_ =	sdelay $0x3  }
0x3b: {  	s14 =	simm.s32 $0x1  }
0x3c: {  	_ =	swait.ge [sflag:s7], $0x80;
	s14 =	simm.s32 @!p0 $0x0  }
0x3d: {  	[sflag:s7] =	ssyncset.done $0x0;
	s15 =	sshll.u32 s14, $0x7  }
0x3e: {  	[sflag:s7] =	ssyncadd.s32 $0xFFFFFF80;
	s16 =	sadd.s32 $0x0, s15  }
0x3f: {  	v2 =	vld.msk [tilespmem:s16+$0x0 ss:$0x1], $0xffff;
	_ =	sdelay $0x3  }
0x40: {  	s18 =	ssub.s32 $0x2EE0, s13  }
0x41: {  	p1 =	slt.s32 s18, $0x80;
	v3 =	vshrl.u32 v2, $0x1  }
0x42: {  	s18 =	simm.s32 @!p1 $0x80;
	v4 =	vand.u32 $0x1, v2;
	vm1 =	veq.s32 v2, $0x80000000;
	v2 =	vand.u32 $0x3FFFF, v3  }
0x43: {  	p1 =	sgt.s32 s18, $0x0;
	s16 =	smov.u32 s18;
	vm2 =	veq.s32 v4, $0x1;
	v2 =	vsel vm1, $0xFFFFFFFF, v2  }
0x44: {  	s16 =	simm.s32 @!p1 $0x0;
	v3 =	vsel vm2, $0xFFC00, v0;
	v61 =	vshll.u32 v2, $0x2  }
0x45: {  	s16 =	smin.u32 s16, $0x10;
	v3 =	vsel vm1, $0xFFF00400, v3;
	v4 =	vand.u32 $0xFFFFFE00, v61  }
0x46: {  	v62 =	vmov s16;
	v2 =	vand.u32 $0x7F, v2;
	v3 =	vadd.s32 v3, v4  }
0x47: {  	vm1 =	vgt.u32 v62, v1;
	v2 =	vor.u32 v2, v3  }
0x48: {  	v3 =	vnsel vm1, $0x7FFFFFFF, v2;
	_ =	sdelay $0x1  }
0x49: {  	s14 =	sshll.u32 s14, $0x9;
	v63 =	vor.u32 $0x80, v2  }
0x4a: {  	(ifvalue) =	ssetifvalue $0x7FFFFFFF;
	s16 =	sor.u32 $0x100, s14;
	v4 =	vnsel vm1, $0x7FFFFFFF, v63  }
0x4b: {  	(ifvalue) =	ssetifvalue $0x7FFFFFFF;
	s19 =	sadd.s32 $0x0, s16  }
0x4c: {  	v5 =	vor.u32 $0x100, v2;
	[tilespmem:s19], [sflag:$0x1] =	stream.indirect_vreg.gather [hbm4b:s2+s10], $0x1, v3, vm0, $0x4038;
	[tilespmem:$0x500] =	vst v63  }
0x4d: {  	(ifvalue) =	ssetifvalue $0x7FFFFFFF;
	v3 =	vnsel vm1, $0x7FFFFFFF, v5  }
0x4e: {  	s17 =	sadd.s32 $0x80, s19;
	(ifvalue) =	ssetifvalue $0x7FFFFFFF  }
0x4f: {  	v2 =	vor.u32 $0x180, v2;
	[tilespmem:s17], [sflag:$0x1] =	stream.indirect_vreg.gather [hbm4b:s2+s10], $0x1, v4, vm0, $0x4038;
	[tilespmem:$0x500] =	vst v63  }
0x50: {  	s30 =	sshll.u32 s12, $0x9;
	s20 =	simm.s32 $0x80;
	v2 =	vnsel vm1, $0x7FFFFFFF, v2;
	(ifvalue) =	ssetifvalue $0x7FFFFFFF  }
0x51: {  	s14 =	sand.u32 $0x200, s30;
	s31 =	sadd.s32 $0x100, s19;
	(ifvalue) =	ssetifvalue $0x7FFFFFFF  }
0x52: {  	[tilespmem:s31], [sflag:$0x1] =	stream.indirect_vreg.gather [hbm4b:s2+s10], $0x1, v3, vm0, $0x4038;
	[tilespmem:$0x500] =	vst v63  }
0x53: {  	s18 =	sadd.s32 $0xFFFFFFF0, s18;
	s14 =	sor.u32 $0x100, s14;
	(ifvalue) =	ssetifvalue $0x7FFFFFFF  }
0x54: {  	s21 =	sadd.s32 $0x180, s19;
	s17 =	simm.s32 $0x10;
	(ifvalue) =	ssetifvalue $0x7FFFFFFF  }
.LBB2_3:
0x55: {  	[tilespmem:s21], [sflag:$0x1] =	stream.indirect_vreg.gather [hbm4b:s2+s10], $0x1, v2, vm0, $0x4038;
	[tilespmem:$0x500] =	vst v63  }
0x56: {  	s19 =	smov.u32 s20  }
0x57: {  	s22 =	sadd.s32 s17, s15;
	s21 =	sshra.s32 s19, $0x2;
	s19 =	sadd.s32 $0x40, s20  }
0x58: {  	p1 =	sne.s32 s20, $0x1C0;
	v2 =	vld.msk [tilespmem:s22+$0x0 ss:$0x1], $0xffff  }
0x59: {  	(ifvalue) =	ssetifvalue $0x7FFFFFFF;
	_ =	sdelay $0x4  }
0x5a: {  	v3 =	vshrl.u32 v2, $0x1;
	v4 =	vand.u32 $0x1, v2  }
0x5b: {  	vm1 =	veq.s32 v2, $0x80000000;
	v2 =	vand.u32 $0x3FFFF, v3;
	vm2 =	veq.s32 v4, $0x1  }
0x5c: {  	p2 =	sgt.s32 s18, $0x0;
	s20 =	smov.u32 s18;
	v2 =	vsel vm1, $0xFFFFFFFF, v2;
	v3 =	vsel vm2, $0xFFC00, v0  }
0x5d: {  	s20 =	simm.s32 @!p2 $0x0;
	v3 =	vsel vm1, $0xFFF00400, v3;
	v4 =	vshll.u32 v2, $0x2  }
0x5e: {  	s20 =	smin.u32 s20, $0x10;
	v4 =	vand.u32 $0xFFFFFE00, v4  }
0x5f: {  	v2 =	vand.u32 $0x7F, v2;
	v3 =	vadd.s32 v3, v4;
	v4 =	vmov s20  }
0x60: {  	v2 =	vor.u32 v2, v3;
	vm1 =	vgt.u32 v4, v1  }
0x61: {  	v3 =	vnsel vm1, $0x7FFFFFFF, v2;
	v4 =	vor.u32 $0x80, v2;
	v5 =	vor.u32 $0x100, v2  }
0x62: {  	v2 =	vor.u32 $0x180, v2;
	_ =	sdelay $0x1  }
0x63: {  	v4 =	vnsel vm1, $0x7FFFFFFF, v4  }
0x64: {  	s20 =	sadd.s32 s17, s16;
	s17 =	smov.u32 s21;
	(ifvalue) =	ssetifvalue $0x7FFFFFFF  }
0x65: {  	[tilespmem:s20], [sflag:$0x1] =	stream.indirect_vreg.gather [hbm4b:s2+s10], $0x1, v3, vm0, $0x4038;
	[tilespmem:$0x500] =	vst v63  }
0x66: {  	v3 =	vnsel vm1, $0x7FFFFFFF, v5;
	(ifvalue) =	ssetifvalue $0x7FFFFFFF  }
0x67: {  	s21 =	sadd.s32 $0x80, s20;
	(ifvalue) =	ssetifvalue $0x7FFFFFFF  }
0x68: {  	[tilespmem:s21], [sflag:$0x1] =	stream.indirect_vreg.gather [hbm4b:s2+s10], $0x1, v4, vm0, $0x4038;
	[tilespmem:$0x500] =	vst v63  }
.Ltmp3:
0x69: {  	v2 =	vnsel vm1, $0x7FFFFFFF, v2;
	(ifvalue) =	ssetifvalue $0x7FFFFFFF;
	(pc) =	sbr.rel @p1 .LBB2_3-.Ltmp3, $4  }
0x6a: {  	s21 =	sadd.s32 $0x100, s20;
	(ifvalue) =	ssetifvalue $0x7FFFFFFF  }
0x6b: {  	[tilespmem:s21], [sflag:$0x1] =	stream.indirect_vreg.gather [hbm4b:s2+s10], $0x1, v3, vm0, $0x4038;
	[tilespmem:$0x500] =	vst v63  }
0x6c: {  	s18 =	sadd.s32 $0xFFFFFFF0, s18;
	(ifvalue) =	ssetifvalue $0x7FFFFFFF  }
0x6d: {  	s21 =	sadd.s32 $0x180, s20;
	s20 =	smov.u32 s19;
	(ifvalue) =	ssetifvalue $0x7FFFFFFF  }
.Ltmp4:
0x6e: {  	_ = 	snop;
	(pc) =	sbr.rel .LBB2_4-.Ltmp4, $1  }
0x6f: {  	_ =	sdelay $0x3  }
.LBB2_6:
0x70: {  	_ =	sfence.sel $0x180000  }
0x71: {  	s2 =	simm.s32 $0x2;
	[bflag:$0x0] =	sbarrier.arrive $0xFFFF  }
0x72: {  	s30 =	simm.s32 $0x3;
	[sflag:s2] =	ssyncpa.u1 $0x1  }
0x73: {  	s31 =	simm.s32 $0x1;
	[sflag:s30] =	ssyncpa.u1 $0x1  }
0x74: {  	[sflag:s31] =	ssyncpa.u1 $0x1  }
0x75: {  	p0 =	sne.s32 s0, $0x0;
	_ =	strace $0x9000004A  }
0x76: {  	s0 =	sadd.s32 @!p0 $0x100000, s1;
	[bflag:$0x2] =	sbarrier.arrive $0xFFFF  }
0x77: {  	[sflag:s0] =	ssyncadd.tile.s32 @!p0 $0x1;
	_ =	shalt  }
.Lfunc_end2:
_tile_overlayer_lowered:
.L_overlay_start_2:
0x78: {  	(tag) =	ssettag $0x2  }
0x79: {  	s0 =	rddreg [dreg:$0x0];
	s2 =	stileid.u32  }
0x7a: {  	s1 =	rddreg [dreg:$0x1];
	p0 =	sne.s32 s2, $0x0  }
0x7b: {  	s3 =	rddreg [dreg:$0x2];
	[bflag:$0x3] =	sbarrier.arrive $0xFFFF;
	s2 =	simm.s32 @!p0 $0x1C01  }
0x7c: {  	[timem:s3], [sflag:s2] =	dma.local @!p0 [hbm:s0], s1  }
0x7d: {  	s0 =	simm.s32 @!p0 $0x1  }
0x7e: {  	_ =	swait.ge @!p0 [sflag:s0], s1  }
0x7f: {  	s1 =	ssub.s32 @!p0 $0x0, s1;
	[sflag:s0] =	ssyncset.done @!p0 $0x0  }
0x80: {  	[sflag:s0] =	ssyncadd.s32 @!p0 s1  }
0x81: {  	[bflag:$0x3] =	sbarrier.arrive $0xFFFF  }
0x82: {  	_ =	shalt  }

</sc_bundles>
